<compile_context>
chip_gen: v7x
topology: tpu7x:2x2x1
jax: 0.10.2.dev20260603
libtpu: 0.0.44.dev20260713+nightly
codegen_flags: <defaults>
</compile_context>

<pallas_src>
import functools

import jax
import jax.numpy as jnp
from jax import lax
from jax.experimental import pallas as pl
from jax.experimental.pallas import tpu as pltpu
from jax.experimental.pallas import tpu_sc as plsc

_NC = 2
_NS = 16
_NW = _NC * _NS
_C = 128


def _mesh():
    return plsc.VectorSubcoreMesh(
        core_axis_name="c", subcore_axis_name="s",
        num_cores=_NC, num_subcores=_NS)


def _sc_degree(Npad, K):
    TR = Npad // _NS

    @functools.partial(
        pl.kernel,
        out_type=jax.ShapeDtypeStruct((_NC, Npad), jnp.float32),
        mesh=_mesh(),
        scratch_types=[
            pltpu.VMEM((K, _C), jnp.int32),
            pltpu.VMEM((_C,), jnp.float32),
            pltpu.VMEM((TR,), jnp.float32),
            pltpu.VMEM_SHARED((Npad,), jnp.float32),
            pltpu.SemaphoreType.DMA,
        ],
    )
    def deg_kernel(dst_hbm, out_hbm, dst_v, ones_v, z_v, acc, sem):
        cid = lax.axis_index("c")
        sid = lax.axis_index("s")
        wid = cid * _NS + sid

        def fill_zero(i, carry):
            z_v[pl.ds(i * 16, 16)] = jnp.zeros((16,), jnp.float32)
            return carry

        lax.fori_loop(0, TR // 16, fill_zero, 0)
        for i in range(_C // 16):
            ones_v[pl.ds(i * 16, 16)] = jnp.ones((16,), jnp.float32)
        pltpu.sync_copy(z_v, acc.at[pl.ds(sid * TR, TR)])
        pltpu.sync_copy(dst_hbm.at[wid], dst_v)
        plsc.subcore_barrier()

        def body(j, carry):
            pltpu.async_copy(ones_v, acc.at[dst_v.at[j]], sem, add=True)
            return carry

        lax.fori_loop(0, K, body, 0)

        def drain(j, carry):
            pltpu.make_async_copy(ones_v, acc.at[dst_v.at[0]], sem).wait()
            return carry

        lax.fori_loop(0, K, drain, 0)
        plsc.subcore_barrier()
        pltpu.sync_copy(acc.at[pl.ds(sid * TR, TR)],
                        out_hbm.at[cid, pl.ds(sid * TR, TR)])

    return deg_kernel


def _sc_propagate(Npad, K, D):
    TR = Npad // _NS

    @functools.partial(
        pl.kernel,
        out_type=jax.ShapeDtypeStruct((_NC, Npad, D), jnp.float32),
        mesh=_mesh(),
        scratch_types=[
            pltpu.VMEM((K, _C), jnp.int32),
            pltpu.VMEM((K, _C), jnp.int32),
            pltpu.VMEM((_C, D), jnp.float32),
            pltpu.VMEM_SHARED((Npad, D), jnp.float32),
            pltpu.SemaphoreType.DMA,
        ],
    )
    def prop_kernel(y_hbm, src_hbm, dst_hbm, out_hbm,
                    src_v, dst_v, rows_v, acc, sem):
        cid = lax.axis_index("c")
        sid = lax.axis_index("s")
        wid = cid * _NS + sid

        def zero_row(r, carry):
            for i in range(D // 16):
                rows_v[r, pl.ds(i * 16, 16)] = jnp.zeros((16,), jnp.float32)
            return carry

        lax.fori_loop(0, _C, zero_row, 0)
        for t in range(TR // _C):
            pltpu.sync_copy(rows_v, acc.at[pl.ds(sid * TR + t * _C, _C)])
        pltpu.sync_copy(src_hbm.at[wid], src_v)
        pltpu.sync_copy(dst_hbm.at[wid], dst_v)
        plsc.subcore_barrier()

        def body(j, carry):
            pltpu.async_copy(y_hbm.at[src_v.at[j]], rows_v, sem).wait()
            pltpu.sync_copy(rows_v, acc.at[dst_v.at[j]], add=True)
            return carry

        lax.fori_loop(0, K, body, 0)
        plsc.subcore_barrier()
        for t in range(TR // _C):
            pltpu.sync_copy(acc.at[pl.ds(sid * TR + t * _C, _C)],
                            out_hbm.at[cid, pl.ds(sid * TR + t * _C, _C)])

    return prop_kernel


def _dinv_of(dg_block):
    return lax.rsqrt(dg_block[:, 0:1] + dg_block[:, 1:2] + 1.0)


def _tc_scale_matmul(x, W1, degt, BR):
    N, Din = x.shape
    Dh = W1.shape[1]

    def body(x_ref, w_ref, dg_ref, y_ref):
        dinv = _dinv_of(dg_ref[...])
        y_ref[...] = dinv * jnp.dot(x_ref[...], w_ref[...],
                                    preferred_element_type=jnp.float32)

    return pl.pallas_call(
        body,
        grid=(N // BR,),
        in_specs=[
            pl.BlockSpec((BR, Din), lambda i: (i, 0)),
            pl.BlockSpec((Din, Dh), lambda i: (0, 0)),
            pl.BlockSpec((BR, 2), lambda i: (i, 0)),
        ],
        out_specs=pl.BlockSpec((BR, Dh), lambda i: (i, 0)),
        out_shape=jax.ShapeDtypeStruct((N, Dh), jnp.float32),
    )(x, W1, degt)


def _tc_layer1_post(Zp, Y1, degt, b1, BR):
    N, Dh = Y1.shape

    def body(zp_ref, y_ref, dg_ref, b_ref, out_ref):
        dinv = _dinv_of(dg_ref[...])
        z = zp_ref[0] + zp_ref[1] + y_ref[...]
        h = jnp.maximum(dinv * z + b_ref[...], 0.0)
        out_ref[...] = dinv * h

    return pl.pallas_call(
        body,
        grid=(N // BR,),
        in_specs=[
            pl.BlockSpec((2, BR, Dh), lambda i: (0, i, 0)),
            pl.BlockSpec((BR, Dh), lambda i: (i, 0)),
            pl.BlockSpec((BR, 2), lambda i: (i, 0)),
            pl.BlockSpec((1, Dh), lambda i: (0, 0)),
        ],
        out_specs=pl.BlockSpec((BR, Dh), lambda i: (i, 0)),
        out_shape=jax.ShapeDtypeStruct((N, Dh), jnp.float32),
    )(Zp, Y1, degt, b1)


def _tc_heads(Zp2, Y2, degt, W_mu, b_mu, W_ls, b_ls, BR):
    N, Dh = Y2.shape
    Dz = W_mu.shape[1]

    def body(zp_ref, y_ref, dg_ref, wmu_ref, bmu_ref, wls_ref, bls_ref,
             mu_ref, ls_ref):
        dinv = _dinv_of(dg_ref[...])
        p = dinv * (zp_ref[0] + zp_ref[1] + y_ref[...])
        mu_ref[...] = jnp.dot(p, wmu_ref[...],
                              preferred_element_type=jnp.float32) + bmu_ref[...]
        ls_ref[...] = jnp.dot(p, wls_ref[...],
                              preferred_element_type=jnp.float32) + bls_ref[...]

    return pl.pallas_call(
        body,
        grid=(N // BR,),
        in_specs=[
            pl.BlockSpec((2, BR, Dh), lambda i: (0, i, 0)),
            pl.BlockSpec((BR, Dh), lambda i: (i, 0)),
            pl.BlockSpec((BR, 2), lambda i: (i, 0)),
            pl.BlockSpec((Dh, Dz), lambda i: (0, 0)),
            pl.BlockSpec((1, Dz), lambda i: (0, 0)),
            pl.BlockSpec((Dh, Dz), lambda i: (0, 0)),
            pl.BlockSpec((1, Dz), lambda i: (0, 0)),
        ],
        out_specs=[
            pl.BlockSpec((BR, Dz), lambda i: (i, 0)),
            pl.BlockSpec((BR, Dz), lambda i: (i, 0)),
        ],
        out_shape=[
            jax.ShapeDtypeStruct((N, Dz), jnp.float32),
            jax.ShapeDtypeStruct((N, Dz), jnp.float32),
        ],
    )(Zp2, Y2, degt, W_mu, b_mu, W_ls, b_ls)


def kernel(x, edge_index, W1, b1, W_mu, b_mu, W_ls, b_ls):
    N, Din = x.shape
    Dh = W1.shape[1]
    Dz = W_mu.shape[1]
    E = edge_index.shape[1]

    K = -(-E // (_NW * _C))
    Epad = _NW * K * _C
    Npad = -(-(N + 1) // (_NS * _C)) * (_NS * _C)
    BR = 1000 if N % 1000 == 0 else N // 8

    src = edge_index[0].astype(jnp.int32)
    dst = edge_index[1].astype(jnp.int32)
    if Epad != E:
        src = jnp.concatenate([src, jnp.zeros((Epad - E,), jnp.int32)])
        dst = jnp.concatenate([dst, jnp.full((Epad - E,), N, jnp.int32)])
    src3 = src.reshape(_NW, K, _C)
    dst3 = dst.reshape(_NW, K, _C)

    degp = _sc_degree(Npad, K)(dst3)
    degt = jnp.transpose(degp)

    Y1 = _tc_scale_matmul(x, W1, degt, BR)
    Zp1 = _sc_propagate(Npad, K, Dh)(Y1, src3, dst3)
    Y2 = _tc_layer1_post(Zp1, Y1, degt, b1.reshape(1, Dh), BR)
    Zp2 = _sc_propagate(Npad, K, Dh)(Y2, src3, dst3)
    mu, ls = _tc_heads(Zp2, Y2, degt, W_mu, b_mu.reshape(1, Dz),
                       W_ls, b_ls.reshape(1, Dz), BR)
    return mu, ls

# --- scband reference (transcript-rebuilt; emitter-appended) ---
"""Pipeline reference for scband-variational-gcnencoder-9783935500965 (READ-ONLY COPY).

The authoritative reference and input builder live on the scoring server;
editing this copy changes nothing except your own understanding.
"""

import jax, jax.numpy as jnp
import numpy as np

N = 10000
E = 320000
D_IN = 128
D_H = 128
D_Z = 64


def gcn_conv(x, edge_index, W, b):
    # GCNConv with self-loops and symmetric normalization (PyG semantics)
    n = x.shape[0]
    loops = jnp.arange(n, dtype=edge_index.dtype)
    src = jnp.concatenate([edge_index[0], loops])
    dst = jnp.concatenate([edge_index[1], loops])
    ones = jnp.ones(src.shape[0], dtype=x.dtype)
    deg = jax.ops.segment_sum(ones, dst, num_segments=n)
    dinv = jnp.where(deg > 0, jax.lax.rsqrt(deg), 0.0)
    norm = dinv[src] * dinv[dst]
    h = x @ W
    msg = h[src] * norm[:, None]
    out = jax.ops.segment_sum(msg, dst, num_segments=n)
    return out + b


def setup_inputs(seed: int = 0) -> dict:
    key = jax.random.key(seed)
    ks = jax.random.split(key, 8)
    x = jax.random.normal(ks[0], (N, D_IN), dtype=jnp.float32)
    edge_index = jax.random.randint(ks[1], (2, E), 0, N, dtype=jnp.int32)
    W1 = jax.random.normal(ks[2], (D_IN, D_H), dtype=jnp.float32) * (1.0 / np.sqrt(D_IN))
    b1 = jnp.zeros((D_H,), dtype=jnp.float32)
    W_mu = jax.random.normal(ks[3], (D_H, D_Z), dtype=jnp.float32) * (1.0 / np.sqrt(D_H))
    b_mu = jnp.zeros((D_Z,), dtype=jnp.float32)
    W_ls = jax.random.normal(ks[4], (D_H, D_Z), dtype=jnp.float32) * (1.0 / np.sqrt(D_H))
    b_ls = jnp.zeros((D_Z,), dtype=jnp.float32)
    return {"x": x, "edge_index": edge_index, "W1": W1, "b1": b1,
            "W_mu": W_mu, "b_mu": b_mu, "W_ls": W_ls, "b_ls": b_ls}


def reference(x, edge_index, W1, b1, W_mu, b_mu, W_ls, b_ls):
    h = jax.nn.relu(gcn_conv(x, edge_index, W1, b1))
    mu = gcn_conv(h, edge_index, W_mu, b_mu)
    logstd = gcn_conv(h, edge_index, W_ls, b_ls)
    return (mu, logstd)

if __name__ == "__main__":
    import jax
    _d = setup_inputs()
    print(jax.jit(kernel)(*tuple(_d.values())))

</pallas_src>

<mosaic_0001>
#map = affine_map<(d0, d1) -> (0, 0)>
#map1 = affine_map<(d0, d1) -> (0, 0, 0)>
module attributes {stable_mosaic.version = 14 : i64} {
  func.func @prop_kernel(%arg0: i32, %arg1: i32, %arg2: memref<10000x128xf32, #tpu.memory_space<hbm>>, %arg3: memref<32x79x128xi32, #tpu.memory_space<hbm>>, %arg4: memref<32x79x128xi32, #tpu.memory_space<hbm>>, %arg5: memref<2x10240x128xf32, #tpu.memory_space<hbm>>, %arg6: memref<79x128xi32, #tpu.memory_space<vmem>>, %arg7: memref<79x128xi32, #tpu.memory_space<vmem>>, %arg8: memref<128x128xf32, #tpu.memory_space<vmem>>, %arg9: memref<10240x128xf32, #tpu.memory_space<vmem_shared>>, %arg10: memref<!tpu.dma_semaphore, #tpu.memory_space<semaphore_mem>>) attributes {dimension_semantics = [#tpu.dimension_semantics<core_parallel>, #tpu.dimension_semantics<subcore_parallel>], iteration_bounds = array<i64: 2, 16>, scalar_prefetch = 0 : i64, scratch_operands = 5 : i64, tpu.core_type = #tpu.core_type<sc_vector_subcore>, window_params = [{transform_indices = #map}, {transform_indices = #map1}, {transform_indices = #map1}, {transform_indices = #map1}]} {
    %mul3A = arith.constant 16 : i32
    %mul3A_0 = arith.muli %arg0, %mul3A : i32
    %add3A = arith.addi %mul3A_0, %arg1 : i32
    %scan3A = arith.constant 0 : i32
    %scan3A_1 = arith.constant 0 : i32
    %scan3A_2 = arith.constant 128 : i32
    %scan3A_3 = arith.addi %scan3A_1, %scan3A_2 : i32
    %scan3A_4 = arith.constant 1 : i32
    scf.for %scan3A_73 = %scan3A_1 to %scan3A_3 step %scan3A_4  : i32 {
      %broadcast_in_dim3A = arith.constant 0.000000e+00 : f32
      %broadcast_in_dim3A_74 = vector.broadcast %broadcast_in_dim3A : f32 to vector<16xf32>
      %swap3A = arith.index_cast %scan3A_73 : i32 to index
      %swap3A_75 = arith.constant 0 : index
      %swap3A_76 = tpu.vector_load %arg8[%swap3A, %swap3A_75] {strides = array<i32>} : memref<128x128xf32, #tpu.memory_space<vmem>>, vector<1x16xf32>,
      %swap3A_77 = vector.shape_cast %swap3A_76 : vector<1x16xf32> to vector<16xf32>
      %swap3A_78 = vector.shape_cast %broadcast_in_dim3A_74 : vector<16xf32> to vector<1x16xf32>
      tpu.vector_store %arg8[%swap3A, %swap3A_75], %swap3A_78 {strides = array<i32>} : memref<128x128xf32, #tpu.memory_space<vmem>>, vector<1x16xf32>,
      %broadcast_in_dim3A_79 = arith.constant 0.000000e+00 : f32
      %broadcast_in_dim3A_80 = vector.broadcast %broadcast_in_dim3A_79 : f32 to vector<16xf32>
      %swap3A_81 = arith.index_cast %scan3A_73 : i32 to index
      %swap3A_82 = arith.constant 16 : index
      %swap3A_83 = tpu.vector_load %arg8[%swap3A_81, %swap3A_82] {strides = array<i32>} : memref<128x128xf32, #tpu.memory_space<vmem>>, vector<1x16xf32>,
      %swap3A_84 = vector.shape_cast %swap3A_83 : vector<1x16xf32> to vector<16xf32>
      %swap3A_85 = vector.shape_cast %broadcast_in_dim3A_80 : vector<16xf32> to vector<1x16xf32>
      tpu.vector_store %arg8[%swap3A_81, %swap3A_82], %swap3A_85 {strides = array<i32>} : memref<128x128xf32, #tpu.memory_space<vmem>>, vector<1x16xf32>,
      %broadcast_in_dim3A_86 = arith.constant 0.000000e+00 : f32
      %broadcast_in_dim3A_87 = vector.broadcast %broadcast_in_dim3A_86 : f32 to vector<16xf32>
      %swap3A_88 = arith.index_cast %scan3A_73 : i32 to index
      %swap3A_89 = arith.constant 32 : index
      %swap3A_90 = tpu.vector_load %arg8[%swap3A_88, %swap3A_89] {strides = array<i32>} : memref<128x128xf32, #tpu.memory_space<vmem>>, vector<1x16xf32>,
      %swap3A_91 = vector.shape_cast %swap3A_90 : vector<1x16xf32> to vector<16xf32>
      %swap3A_92 = vector.shape_cast %broadcast_in_dim3A_87 : vector<16xf32> to vector<1x16xf32>
      tpu.vector_store %arg8[%swap3A_88, %swap3A_89], %swap3A_92 {strides = array<i32>} : memref<128x128xf32, #tpu.memory_space<vmem>>, vector<1x16xf32>,
      %broadcast_in_dim3A_93 = arith.constant 0.000000e+00 : f32
      %broadcast_in_dim3A_94 = vector.broadcast %broadcast_in_dim3A_93 : f32 to vector<16xf32>
      %swap3A_95 = arith.index_cast %scan3A_73 : i32 to index
      %swap3A_96 = arith.constant 48 : index
      %swap3A_97 = tpu.vector_load %arg8[%swap3A_95, %swap3A_96] {strides = array<i32>} : memref<128x128xf32, #tpu.memory_space<vmem>>, vector<1x16xf32>,
      %swap3A_98 = vector.shape_cast %swap3A_97 : vector<1x16xf32> to vector<16xf32>
      %swap3A_99 = vector.shape_cast %broadcast_in_dim3A_94 : vector<16xf32> to vector<1x16xf32>
      tpu.vector_store %arg8[%swap3A_95, %swap3A_96], %swap3A_99 {strides = array<i32>} : memref<128x128xf32, #tpu.memory_space<vmem>>, vector<1x16xf32>,
      %broadcast_in_dim3A_100 = arith.constant 0.000000e+00 : f32
      %broadcast_in_dim3A_101 = vector.broadcast %broadcast_in_dim3A_100 : f32 to vector<16xf32>
      %swap3A_102 = arith.index_cast %scan3A_73 : i32 to index
      %swap3A_103 = arith.constant 64 : index
      %swap3A_104 = tpu.vector_load %arg8[%swap3A_102, %swap3A_103] {strides = array<i32>} : memref<128x128xf32, #tpu.memory_space<vmem>>, vector<1x16xf32>,
      %swap3A_105 = vector.shape_cast %swap3A_104 : vector<1x16xf32> to vector<16xf32>
      %swap3A_106 = vector.shape_cast %broadcast_in_dim3A_101 : vector<16xf32> to vector<1x16xf32>
      tpu.vector_store %arg8[%swap3A_102, %swap3A_103], %swap3A_106 {strides = array<i32>} : memref<128x128xf32, #tpu.memory_space<vmem>>, vector<1x16xf32>,
      %broadcast_in_dim3A_107 = arith.constant 0.000000e+00 : f32
      %broadcast_in_dim3A_108 = vector.broadcast %broadcast_in_dim3A_107 : f32 to vector<16xf32>
      %swap3A_109 = arith.index_cast %scan3A_73 : i32 to index
      %swap3A_110 = arith.constant 80 : index
      %swap3A_111 = tpu.vector_load %arg8[%swap3A_109, %swap3A_110] {strides = array<i32>} : memref<128x128xf32, #tpu.memory_space<vmem>>, vector<1x16xf32>,
      %swap3A_112 = vector.shape_cast %swap3A_111 : vector<1x16xf32> to vector<16xf32>
      %swap3A_113 = vector.shape_cast %broadcast_in_dim3A_108 : vector<16xf32> to vector<1x16xf32>
      tpu.vector_store %arg8[%swap3A_109, %swap3A_110], %swap3A_113 {strides = array<i32>} : memref<128x128xf32, #tpu.memory_space<vmem>>, vector<1x16xf32>,
      %broadcast_in_dim3A_114 = arith.constant 0.000000e+00 : f32
      %broadcast_in_dim3A_115 = vector.broadcast %broadcast_in_dim3A_114 : f32 to vector<16xf32>
      %swap3A_116 = arith.index_cast %scan3A_73 : i32 to index
      %swap3A_117 = arith.constant 96 : index
      %swap3A_118 = tpu.vector_load %arg8[%swap3A_116, %swap3A_117] {strides = array<i32>} : memref<128x128xf32, #tpu.memory_space<vmem>>, vector<1x16xf32>,
      %swap3A_119 = vector.shape_cast %swap3A_118 : vector<1x16xf32> to vector<16xf32>
      %swap3A_120 = vector.shape_cast %broadcast_in_dim3A_115 : vector<16xf32> to vector<1x16xf32>
      tpu.vector_store %arg8[%swap3A_116, %swap3A_117], %swap3A_120 {strides = array<i32>} : memref<128x128xf32, #tpu.memory_space<vmem>>, vector<1x16xf32>,
      %broadcast_in_dim3A_121 = arith.constant 0.000000e+00 : f32
      %broadcast_in_dim3A_122 = vector.broadcast %broadcast_in_dim3A_121 : f32 to vector<16xf32>
      %swap3A_123 = arith.index_cast %scan3A_73 : i32 to index
      %swap3A_124 = arith.constant 112 : index
      %swap3A_125 = tpu.vector_load %arg8[%swap3A_123, %swap3A_124] {strides = array<i32>} : memref<128x128xf32, #tpu.memory_space<vmem>>, vector<1x16xf32>,
      %swap3A_126 = vector.shape_cast %swap3A_125 : vector<1x16xf32> to vector<16xf32>
      %swap3A_127 = vector.shape_cast %broadcast_in_dim3A_122 : vector<16xf32> to vector<1x16xf32>
      tpu.vector_store %arg8[%swap3A_123, %swap3A_124], %swap3A_127 {strides = array<i32>} : memref<128x128xf32, #tpu.memory_space<vmem>>, vector<1x16xf32>,
    }
    %scan3A_5 = arith.constant 128 : i32
    %mul3A_6 = arith.constant 640 : i32
    %mul3A_7 = arith.muli %arg1, %mul3A_6 : i32
    %add3A_8 = arith.constant 0 : i32
    %add3A_9 = arith.addi %mul3A_7, %add3A_8 : i32
    "tpu.region"() ({
      %run_scoped3A = tpu.sem_alloc : memref<!tpu.dma_semaphore, #tpu.memory_space<semaphore_mem>>
      %dma_start3A = arith.constant 0 : i32
      %dma_start3A_73 = tpu.memref_slice %arg9[%add3A_9, %dma_start3A] : memref<10240x128xf32, #tpu.memory_space<vmem_shared>> -> memref<128x128xf32, #tpu.memory_space<vmem_shared>>
      %dma_start3A_74 = arith.constant 0 : i32
      %dma_start3A_75 = tpu.memref_slice %arg9[%add3A_9, %dma_start3A_74] : memref<10240x128xf32, #tpu.memory_space<vmem_shared>> -> memref<128x128xf32, #tpu.memory_space<vmem_shared>>
      tpu.enqueue_dma source(%arg8 : memref<128x128xf32, #tpu.memory_space<vmem>>) target(%dma_start3A_75 : memref<128x128xf32, #tpu.memory_space<vmem_shared>>) target_semaphore(%run_scoped3A : memref<!tpu.dma_semaphore, #tpu.memory_space<semaphore_mem>>)
      %dma_wait3A = arith.constant 0 : i32
      %dma_wait3A_76 = tpu.memref_slice %arg9[%add3A_9, %dma_wait3A] : memref<10240x128xf32, #tpu.memory_space<vmem_shared>> -> memref<128x128xf32, #tpu.memory_space<vmem_shared>>
      %dma_wait3A_77 = arith.constant 0 : i32
      %dma_wait3A_78 = tpu.memref_slice %arg9[%add3A_9, %dma_wait3A_77] : memref<10240x128xf32, #tpu.memory_space<vmem_shared>> -> memref<128x128xf32, #tpu.memory_space<vmem_shared>>
      tpu.wait_dma2 semaphore(%run_scoped3A : memref<!tpu.dma_semaphore, #tpu.memory_space<semaphore_mem>>) src(%arg8 : memref<128x128xf32, #tpu.memory_space<vmem>>) dst(%dma_wait3A_78 : memref<128x128xf32, #tpu.memory_space<vmem_shared>>)
      tpu.yield
    }) : () -> ()
    %mul3A_10 = arith.constant 640 : i32
    %mul3A_11 = arith.muli %arg1, %mul3A_10 : i32
    %add3A_12 = arith.constant 128 : i32
    %add3A_13 = arith.addi %mul3A_11, %add3A_12 : i32
    "tpu.region"() ({
      %run_scoped3A = tpu.sem_alloc : memref<!tpu.dma_semaphore, #tpu.memory_space<semaphore_mem>>
      %dma_start3A = arith.constant 0 : i32
      %dma_start3A_73 = tpu.memref_slice %arg9[%add3A_13, %dma_start3A] : memref<10240x128xf32, #tpu.memory_space<vmem_shared>> -> memref<128x128xf32, #tpu.memory_space<vmem_shared>>
      %dma_start3A_74 = arith.constant 0 : i32
      %dma_start3A_75 = tpu.memref_slice %arg9[%add3A_13, %dma_start3A_74] : memref<10240x128xf32, #tpu.memory_space<vmem_shared>> -> memref<128x128xf32, #tpu.memory_space<vmem_shared>>
      tpu.enqueue_dma source(%arg8 : memref<128x128xf32, #tpu.memory_space<vmem>>) target(%dma_start3A_75 : memref<128x128xf32, #tpu.memory_space<vmem_shared>>) target_semaphore(%run_scoped3A : memref<!tpu.dma_semaphore, #tpu.memory_space<semaphore_mem>>)
      %dma_wait3A = arith.constant 0 : i32
      %dma_wait3A_76 = tpu.memref_slice %arg9[%add3A_13, %dma_wait3A] : memref<10240x128xf32, #tpu.memory_space<vmem_shared>> -> memref<128x128xf32, #tpu.memory_space<vmem_shared>>
      %dma_wait3A_77 = arith.constant 0 : i32
      %dma_wait3A_78 = tpu.memref_slice %arg9[%add3A_13, %dma_wait3A_77] : memref<10240x128xf32, #tpu.memory_space<vmem_shared>> -> memref<128x128xf32, #tpu.memory_space<vmem_shared>>
      tpu.wait_dma2 semaphore(%run_scoped3A : memref<!tpu.dma_semaphore, #tpu.memory_space<semaphore_mem>>) src(%arg8 : memref<128x128xf32, #tpu.memory_space<vmem>>) dst(%dma_wait3A_78 : memref<128x128xf32, #tpu.memory_space<vmem_shared>>)
      tpu.yield
    }) : () -> ()
    %mul3A_14 = arith.constant 640 : i32
    %mul3A_15 = arith.muli %arg1, %mul3A_14 : i32
    %add3A_16 = arith.constant 256 : i32
    %add3A_17 = arith.addi %mul3A_15, %add3A_16 : i32
    "tpu.region"() ({
      %run_scoped3A = tpu.sem_alloc : memref<!tpu.dma_semaphore, #tpu.memory_space<semaphore_mem>>
      %dma_start3A = arith.constant 0 : i32
      %dma_start3A_73 = tpu.memref_slice %arg9[%add3A_17, %dma_start3A] : memref<10240x128xf32, #tpu.memory_space<vmem_shared>> -> memref<128x128xf32, #tpu.memory_space<vmem_shared>>
      %dma_start3A_74 = arith.constant 0 : i32
      %dma_start3A_75 = tpu.memref_slice %arg9[%add3A_17, %dma_start3A_74] : memref<10240x128xf32, #tpu.memory_space<vmem_shared>> -> memref<128x128xf32, #tpu.memory_space<vmem_shared>>
      tpu.enqueue_dma source(%arg8 : memref<128x128xf32, #tpu.memory_space<vmem>>) target(%dma_start3A_75 : memref<128x128xf32, #tpu.memory_space<vmem_shared>>) target_semaphore(%run_scoped3A : memref<!tpu.dma_semaphore, #tpu.memory_space<semaphore_mem>>)
      %dma_wait3A = arith.constant 0 : i32
      %dma_wait3A_76 = tpu.memref_slice %arg9[%add3A_17, %dma_wait3A] : memref<10240x128xf32, #tpu.memory_space<vmem_shared>> -> memref<128x128xf32, #tpu.memory_space<vmem_shared>>
      %dma_wait3A_77 = arith.constant 0 : i32
      %dma_wait3A_78 = tpu.memref_slice %arg9[%add3A_17, %dma_wait3A_77] : memref<10240x128xf32, #tpu.memory_space<vmem_shared>> -> memref<128x128xf32, #tpu.memory_space<vmem_shared>>
      tpu.wait_dma2 semaphore(%run_scoped3A : memref<!tpu.dma_semaphore, #tpu.memory_space<semaphore_mem>>) src(%arg8 : memref<128x128xf32, #tpu.memory_space<vmem>>) dst(%dma_wait3A_78 : memref<128x128xf32, #tpu.memory_space<vmem_shared>>)
      tpu.yield
    }) : () -> ()
    %mul3A_18 = arith.constant 640 : i32
    %mul3A_19 = arith.muli %arg1, %mul3A_18 : i32
    %add3A_20 = arith.constant 384 : i32
    %add3A_21 = arith.addi %mul3A_19, %add3A_20 : i32
    "tpu.region"() ({
      %run_scoped3A = tpu.sem_alloc : memref<!tpu.dma_semaphore, #tpu.memory_space<semaphore_mem>>
      %dma_start3A = arith.constant 0 : i32
      %dma_start3A_73 = tpu.memref_slice %arg9[%add3A_21, %dma_start3A] : memref<10240x128xf32, #tpu.memory_space<vmem_shared>> -> memref<128x128xf32, #tpu.memory_space<vmem_shared>>
      %dma_start3A_74 = arith.constant 0 : i32
      %dma_start3A_75 = tpu.memref_slice %arg9[%add3A_21, %dma_start3A_74] : memref<10240x128xf32, #tpu.memory_space<vmem_shared>> -> memref<128x128xf32, #tpu.memory_space<vmem_shared>>
      tpu.enqueue_dma source(%arg8 : memref<128x128xf32, #tpu.memory_space<vmem>>) target(%dma_start3A_75 : memref<128x128xf32, #tpu.memory_space<vmem_shared>>) target_semaphore(%run_scoped3A : memref<!tpu.dma_semaphore, #tpu.memory_space<semaphore_mem>>)
      %dma_wait3A = arith.constant 0 : i32
      %dma_wait3A_76 = tpu.memref_slice %arg9[%add3A_21, %dma_wait3A] : memref<10240x128xf32, #tpu.memory_space<vmem_shared>> -> memref<128x128xf32, #tpu.memory_space<vmem_shared>>
      %dma_wait3A_77 = arith.constant 0 : i32
      %dma_wait3A_78 = tpu.memref_slice %arg9[%add3A_21, %dma_wait3A_77] : memref<10240x128xf32, #tpu.memory_space<vmem_shared>> -> memref<128x128xf32, #tpu.memory_space<vmem_shared>>
      tpu.wait_dma2 semaphore(%run_scoped3A : memref<!tpu.dma_semaphore, #tpu.memory_space<semaphore_mem>>) src(%arg8 : memref<128x128xf32, #tpu.memory_space<vmem>>) dst(%dma_wait3A_78 : memref<128x128xf32, #tpu.memory_space<vmem_shared>>)
      tpu.yield
    }) : () -> ()
    %mul3A_22 = arith.constant 640 : i32
    %mul3A_23 = arith.muli %arg1, %mul3A_22 : i32
    %add3A_24 = arith.constant 512 : i32
    %add3A_25 = arith.addi %mul3A_23, %add3A_24 : i32
    "tpu.region"() ({
      %run_scoped3A = tpu.sem_alloc : memref<!tpu.dma_semaphore, #tpu.memory_space<semaphore_mem>>
      %dma_start3A = arith.constant 0 : i32
      %dma_start3A_73 = tpu.memref_slice %arg9[%add3A_25, %dma_start3A] : memref<10240x128xf32, #tpu.memory_space<vmem_shared>> -> memref<128x128xf32, #tpu.memory_space<vmem_shared>>
      %dma_start3A_74 = arith.constant 0 : i32
      %dma_start3A_75 = tpu.memref_slice %arg9[%add3A_25, %dma_start3A_74] : memref<10240x128xf32, #tpu.memory_space<vmem_shared>> -> memref<128x128xf32, #tpu.memory_space<vmem_shared>>
      tpu.enqueue_dma source(%arg8 : memref<128x128xf32, #tpu.memory_space<vmem>>) target(%dma_start3A_75 : memref<128x128xf32, #tpu.memory_space<vmem_shared>>) target_semaphore(%run_scoped3A : memref<!tpu.dma_semaphore, #tpu.memory_space<semaphore_mem>>)
      %dma_wait3A = arith.constant 0 : i32
      %dma_wait3A_76 = tpu.memref_slice %arg9[%add3A_25, %dma_wait3A] : memref<10240x128xf32, #tpu.memory_space<vmem_shared>> -> memref<128x128xf32, #tpu.memory_space<vmem_shared>>
      %dma_wait3A_77 = arith.constant 0 : i32
      %dma_wait3A_78 = tpu.memref_slice %arg9[%add3A_25, %dma_wait3A_77] : memref<10240x128xf32, #tpu.memory_space<vmem_shared>> -> memref<128x128xf32, #tpu.memory_space<vmem_shared>>
      tpu.wait_dma2 semaphore(%run_scoped3A : memref<!tpu.dma_semaphore, #tpu.memory_space<semaphore_mem>>) src(%arg8 : memref<128x128xf32, #tpu.memory_space<vmem>>) dst(%dma_wait3A_78 : memref<128x128xf32, #tpu.memory_space<vmem_shared>>)
      tpu.yield
    }) : () -> ()
    "tpu.region"() ({
      %run_scoped3A = tpu.sem_alloc : memref<!tpu.dma_semaphore, #tpu.memory_space<semaphore_mem>>
      %dma_start3A = arith.constant 0 : i32
      %dma_start3A_73 = arith.constant 0 : i32
      %dma_start3A_74 = tpu.memref_slice %arg3[%add3A, %dma_start3A, %dma_start3A_73] : memref<32x79x128xi32, #tpu.memory_space<hbm>> -> memref<1x79x128xi32, #tpu.memory_space<hbm>>
      %dma_start3A_75 = tpu.memref_squeeze %dma_start3A_74 : memref<1x79x128xi32, #tpu.memory_space<hbm>> -> memref<79x128xi32, #tpu.memory_space<hbm>>
      %dma_start3A_76 = arith.constant 0 : i32
      %dma_start3A_77 = arith.constant 0 : i32
      %dma_start3A_78 = tpu.memref_slice %arg3[%add3A, %dma_start3A_76, %dma_start3A_77] : memref<32x79x128xi32, #tpu.memory_space<hbm>> -> memref<1x79x128xi32, #tpu.memory_space<hbm>>
      %dma_start3A_79 = tpu.memref_squeeze %dma_start3A_78 : memref<1x79x128xi32, #tpu.memory_space<hbm>> -> memref<79x128xi32, #tpu.memory_space<hbm>>
      tpu.enqueue_dma source(%dma_start3A_79 : memref<79x128xi32, #tpu.memory_space<hbm>>) target(%arg6 : memref<79x128xi32, #tpu.memory_space<vmem>>) target_semaphore(%run_scoped3A : memref<!tpu.dma_semaphore, #tpu.memory_space<semaphore_mem>>)
      %dma_wait3A = arith.constant 0 : i32
      %dma_wait3A_80 = arith.constant 0 : i32
      %dma_wait3A_81 = tpu.memref_slice %arg3[%add3A, %dma_wait3A, %dma_wait3A_80] : memref<32x79x128xi32, #tpu.memory_space<hbm>> -> memref<1x79x128xi32, #tpu.memory_space<hbm>>
      %dma_wait3A_82 = tpu.memref_squeeze %dma_wait3A_81 : memref<1x79x128xi32, #tpu.memory_space<hbm>> -> memref<79x128xi32, #tpu.memory_space<hbm>>
      %dma_wait3A_83 = arith.constant 0 : i32
      %dma_wait3A_84 = arith.constant 0 : i32
      %dma_wait3A_85 = tpu.memref_slice %arg3[%add3A, %dma_wait3A_83, %dma_wait3A_84] : memref<32x79x128xi32, #tpu.memory_space<hbm>> -> memref<1x79x128xi32, #tpu.memory_space<hbm>>
      %dma_wait3A_86 = tpu.memref_squeeze %dma_wait3A_85 : memref<1x79x128xi32, #tpu.memory_space<hbm>> -> memref<79x128xi32, #tpu.memory_space<hbm>>
      tpu.wait_dma2 semaphore(%run_scoped3A : memref<!tpu.dma_semaphore, #tpu.memory_space<semaphore_mem>>) src(%dma_wait3A_86 : memref<79x128xi32, #tpu.memory_space<hbm>>) dst(%arg6 : memref<79x128xi32, #tpu.memory_space<vmem>>)
      tpu.yield
    }) : () -> ()
    "tpu.region"() ({
      %run_scoped3A = tpu.sem_alloc : memref<!tpu.dma_semaphore, #tpu.memory_space<semaphore_mem>>
      %dma_start3A = arith.constant 0 : i32
      %dma_start3A_73 = arith.constant 0 : i32
      %dma_start3A_74 = tpu.memref_slice %arg4[%add3A, %dma_start3A, %dma_start3A_73] : memref<32x79x128xi32, #tpu.memory_space<hbm>> -> memref<1x79x128xi32, #tpu.memory_space<hbm>>
      %dma_start3A_75 = tpu.memref_squeeze %dma_start3A_74 : memref<1x79x128xi32, #tpu.memory_space<hbm>> -> memref<79x128xi32, #tpu.memory_space<hbm>>
      %dma_start3A_76 = arith.constant 0 : i32
      %dma_start3A_77 = arith.constant 0 : i32
      %dma_start3A_78 = tpu.memref_slice %arg4[%add3A, %dma_start3A_76, %dma_start3A_77] : memref<32x79x128xi32, #tpu.memory_space<hbm>> -> memref<1x79x128xi32, #tpu.memory_space<hbm>>
      %dma_start3A_79 = tpu.memref_squeeze %dma_start3A_78 : memref<1x79x128xi32, #tpu.memory_space<hbm>> -> memref<79x128xi32, #tpu.memory_space<hbm>>
      tpu.enqueue_dma source(%dma_start3A_79 : memref<79x128xi32, #tpu.memory_space<hbm>>) target(%arg7 : memref<79x128xi32, #tpu.memory_space<vmem>>) target_semaphore(%run_scoped3A : memref<!tpu.dma_semaphore, #tpu.memory_space<semaphore_mem>>)
      %dma_wait3A = arith.constant 0 : i32
      %dma_wait3A_80 = arith.constant 0 : i32
      %dma_wait3A_81 = tpu.memref_slice %arg4[%add3A, %dma_wait3A, %dma_wait3A_80] : memref<32x79x128xi32, #tpu.memory_space<hbm>> -> memref<1x79x128xi32, #tpu.memory_space<hbm>>
      %dma_wait3A_82 = tpu.memref_squeeze %dma_wait3A_81 : memref<1x79x128xi32, #tpu.memory_space<hbm>> -> memref<79x128xi32, #tpu.memory_space<hbm>>
      %dma_wait3A_83 = arith.constant 0 : i32
      %dma_wait3A_84 = arith.constant 0 : i32
      %dma_wait3A_85 = tpu.memref_slice %arg4[%add3A, %dma_wait3A_83, %dma_wait3A_84] : memref<32x79x128xi32, #tpu.memory_space<hbm>> -> memref<1x79x128xi32, #tpu.memory_space<hbm>>
      %dma_wait3A_86 = tpu.memref_squeeze %dma_wait3A_85 : memref<1x79x128xi32, #tpu.memory_space<hbm>> -> memref<79x128xi32, #tpu.memory_space<hbm>>
      tpu.wait_dma2 semaphore(%run_scoped3A : memref<!tpu.dma_semaphore, #tpu.memory_space<semaphore_mem>>) src(%dma_wait3A_86 : memref<79x128xi32, #tpu.memory_space<hbm>>) dst(%arg7 : memref<79x128xi32, #tpu.memory_space<vmem>>)
      tpu.yield
    }) : () -> ()
    %barrier3A = arith.constant 0 : index
    tpu.barrier barrier_id(%barrier3A)
    %scan3A_26 = arith.constant 0 : i32
    %scan3A_27 = arith.constant 0 : i32
    %scan3A_28 = arith.constant 79 : i32
    %scan3A_29 = arith.addi %scan3A_27, %scan3A_28 : i32
    %scan3A_30 = arith.constant 1 : i32
    scf.for %scan3A_73 = %scan3A_27 to %scan3A_29 step %scan3A_30  : i32 {
      %dma_start3A = arith.constant 0 : i32
      %dma_start3A_74 = tpu.memref_slice %arg6[%scan3A_73, %dma_start3A] : memref<79x128xi32, #tpu.memory_space<vmem>> -> memref<1x128xi32, #tpu.memory_space<vmem>>
      %dma_start3A_75 = tpu.memref_squeeze %dma_start3A_74 : memref<1x128xi32, #tpu.memory_space<vmem>> -> memref<128xi32, #tpu.memory_space<vmem>>
      %dma_start3A_76 = arith.constant 0 : i32
      %dma_start3A_77 = arith.constant 0 : i32
      %dma_start3A_78 = tpu.memref_slice %arg2[%dma_start3A_76, %dma_start3A_77] : memref<10000x128xf32, #tpu.memory_space<hbm>> -> memref<10000x128xf32, #tpu.memory_space<hbm>>
      tpu.enqueue_indirect_dma source(%dma_start3A_78 : memref<10000x128xf32, #tpu.memory_space<hbm>>) target(%arg8 : memref<128x128xf32, #tpu.memory_space<vmem>>) offsets(%dma_start3A_75 : memref<128xi32, #tpu.memory_space<vmem>>) semaphore(%arg10 : memref<!tpu.dma_semaphore, #tpu.memory_space<semaphore_mem>>)
      %dma_wait3A = arith.constant 0 : i32
      %dma_wait3A_79 = tpu.memref_slice %arg6[%scan3A_73, %dma_wait3A] : memref<79x128xi32, #tpu.memory_space<vmem>> -> memref<1x128xi32, #tpu.memory_space<vmem>>
      %dma_wait3A_80 = tpu.memref_squeeze %dma_wait3A_79 : memref<1x128xi32, #tpu.memory_space<vmem>> -> memref<128xi32, #tpu.memory_space<vmem>>
      %dma_wait3A_81 = arith.constant 0 : i32
      %dma_wait3A_82 = arith.constant 0 : i32
      %dma_wait3A_83 = tpu.memref_slice %arg2[%dma_wait3A_81, %dma_wait3A_82] : memref<10000x128xf32, #tpu.memory_space<hbm>> -> memref<10000x128xf32, #tpu.memory_space<hbm>>
      tpu.wait_indirect_dma semaphore(%arg10 : memref<!tpu.dma_semaphore, #tpu.memory_space<semaphore_mem>>) src(%dma_wait3A_83 : memref<10000x128xf32, #tpu.memory_space<hbm>>) dst(%arg8 : memref<128x128xf32, #tpu.memory_space<vmem>>)
      "tpu.region"() ({
        %run_scoped3A = tpu.sem_alloc : memref<!tpu.dma_semaphore, #tpu.memory_space<semaphore_mem>>
        %dma_start3A_84 = arith.constant 0 : i32
        %dma_start3A_85 = tpu.memref_slice %arg7[%scan3A_73, %dma_start3A_84] : memref<79x128xi32, #tpu.memory_space<vmem>> -> memref<1x128xi32, #tpu.memory_space<vmem>>
        %dma_start3A_86 = tpu.memref_squeeze %dma_start3A_85 : memref<1x128xi32, #tpu.memory_space<vmem>> -> memref<128xi32, #tpu.memory_space<vmem>>
        %dma_start3A_87 = arith.constant 0 : i32
        %dma_start3A_88 = arith.constant 0 : i32
        %dma_start3A_89 = tpu.memref_slice %arg9[%dma_start3A_87, %dma_start3A_88] : memref<10240x128xf32, #tpu.memory_space<vmem_shared>> -> memref<10240x128xf32, #tpu.memory_space<vmem_shared>>
        tpu.enqueue_indirect_dma source(%arg8 : memref<128x128xf32, #tpu.memory_space<vmem>>) target(%dma_start3A_89 : memref<10240x128xf32, #tpu.memory_space<vmem_shared>>) offsets(%dma_start3A_86 : memref<128xi32, #tpu.memory_space<vmem>>) semaphore(%run_scoped3A : memref<!tpu.dma_semaphore, #tpu.memory_space<semaphore_mem>>) {add = true}
        %dma_wait3A_90 = arith.constant 0 : i32
        %dma_wait3A_91 = tpu.memref_slice %arg7[%scan3A_73, %dma_wait3A_90] : memref<79x128xi32, #tpu.memory_space<vmem>> -> memref<1x128xi32, #tpu.memory_space<vmem>>
        %dma_wait3A_92 = tpu.memref_squeeze %dma_wait3A_91 : memref<1x128xi32, #tpu.memory_space<vmem>> -> memref<128xi32, #tpu.memory_space<vmem>>
        %dma_wait3A_93 = arith.constant 0 : i32
        %dma_wait3A_94 = arith.constant 0 : i32
        %dma_wait3A_95 = tpu.memref_slice %arg9[%dma_wait3A_93, %dma_wait3A_94] : memref<10240x128xf32, #tpu.memory_space<vmem_shared>> -> memref<10240x128xf32, #tpu.memory_space<vmem_shared>>
        tpu.wait_indirect_dma semaphore(%run_scoped3A : memref<!tpu.dma_semaphore, #tpu.memory_space<semaphore_mem>>) src(%arg8 : memref<128x128xf32, #tpu.memory_space<vmem>>) dst(%dma_wait3A_95 : memref<10240x128xf32, #tpu.memory_space<vmem_shared>>)
        tpu.yield
      }) : () -> ()
    }
    %scan3A_31 = arith.constant 79 : i32
    %barrier3A_32 = arith.constant 0 : index
    tpu.barrier barrier_id(%barrier3A_32)
    %mul3A_33 = arith.constant 640 : i32
    %mul3A_34 = arith.muli %arg1, %mul3A_33 : i32
    %add3A_35 = arith.constant 0 : i32
    %add3A_36 = arith.addi %mul3A_34, %add3A_35 : i32
    %mul3A_37 = arith.constant 640 : i32
    %mul3A_38 = arith.muli %arg1, %mul3A_37 : i32
    %add3A_39 = arith.constant 0 : i32
    %add3A_40 = arith.addi %mul3A_38, %add3A_39 : i32
    "tpu.region"() ({
      %run_scoped3A = tpu.sem_alloc : memref<!tpu.dma_semaphore, #tpu.memory_space<semaphore_mem>>
      %dma_start3A = arith.constant 0 : i32
      %dma_start3A_73 = tpu.memref_slice %arg5[%arg0, %add3A_40, %dma_start3A] : memref<2x10240x128xf32, #tpu.memory_space<hbm>> -> memref<1x128x128xf32, #tpu.memory_space<hbm>>
      %dma_start3A_74 = tpu.memref_squeeze %dma_start3A_73 : memref<1x128x128xf32, #tpu.memory_space<hbm>> -> memref<128x128xf32, #tpu.memory_space<hbm>>
      %dma_start3A_75 = arith.constant 0 : i32
      %dma_start3A_76 = tpu.memref_slice %arg9[%add3A_36, %dma_start3A_75] : memref<10240x128xf32, #tpu.memory_space<vmem_shared>> -> memref<128x128xf32, #tpu.memory_space<vmem_shared>>
      tpu.enqueue_dma source(%dma_start3A_76 : memref<128x128xf32, #tpu.memory_space<vmem_shared>>) target(%dma_start3A_74 : memref<128x128xf32, #tpu.memory_space<hbm>>) target_semaphore(%run_scoped3A : memref<!tpu.dma_semaphore, #tpu.memory_space<semaphore_mem>>)
      %dma_wait3A = arith.constant 0 : i32
      %dma_wait3A_77 = tpu.memref_slice %arg5[%arg0, %add3A_40, %dma_wait3A] : memref<2x10240x128xf32, #tpu.memory_space<hbm>> -> memref<1x128x128xf32, #tpu.memory_space<hbm>>
      %dma_wait3A_78 = tpu.memref_squeeze %dma_wait3A_77 : memref<1x128x128xf32, #tpu.memory_space<hbm>> -> memref<128x128xf32, #tpu.memory_space<hbm>>
      %dma_wait3A_79 = arith.constant 0 : i32
      %dma_wait3A_80 = tpu.memref_slice %arg9[%add3A_36, %dma_wait3A_79] : memref<10240x128xf32, #tpu.memory_space<vmem_shared>> -> memref<128x128xf32, #tpu.memory_space<vmem_shared>>
      tpu.wait_dma2 semaphore(%run_scoped3A : memref<!tpu.dma_semaphore, #tpu.memory_space<semaphore_mem>>) src(%dma_wait3A_80 : memref<128x128xf32, #tpu.memory_space<vmem_shared>>) dst(%dma_wait3A_78 : memref<128x128xf32, #tpu.memory_space<hbm>>)
      tpu.yield
    }) : () -> ()
    %mul3A_41 = arith.constant 640 : i32
    %mul3A_42 = arith.muli %arg1, %mul3A_41 : i32
    %add3A_43 = arith.constant 128 : i32
    %add3A_44 = arith.addi %mul3A_42, %add3A_43 : i32
    %mul3A_45 = arith.constant 640 : i32
    %mul3A_46 = arith.muli %arg1, %mul3A_45 : i32
    %add3A_47 = arith.constant 128 : i32
    %add3A_48 = arith.addi %mul3A_46, %add3A_47 : i32
    "tpu.region"() ({
      %run_scoped3A = tpu.sem_alloc : memref<!tpu.dma_semaphore, #tpu.memory_space<semaphore_mem>>
      %dma_start3A = arith.constant 0 : i32
      %dma_start3A_73 = tpu.memref_slice %arg5[%arg0, %add3A_48, %dma_start3A] : memref<2x10240x128xf32, #tpu.memory_space<hbm>> -> memref<1x128x128xf32, #tpu.memory_space<hbm>>
      %dma_start3A_74 = tpu.memref_squeeze %dma_start3A_73 : memref<1x128x128xf32, #tpu.memory_space<hbm>> -> memref<128x128xf32, #tpu.memory_space<hbm>>
      %dma_start3A_75 = arith.constant 0 : i32
      %dma_start3A_76 = tpu.memref_slice %arg9[%add3A_44, %dma_start3A_75] : memref<10240x128xf32, #tpu.memory_space<vmem_shared>> -> memref<128x128xf32, #tpu.memory_space<vmem_shared>>
      tpu.enqueue_dma source(%dma_start3A_76 : memref<128x128xf32, #tpu.memory_space<vmem_shared>>) target(%dma_start3A_74 : memref<128x128xf32, #tpu.memory_space<hbm>>) target_semaphore(%run_scoped3A : memref<!tpu.dma_semaphore, #tpu.memory_space<semaphore_mem>>)
      %dma_wait3A = arith.constant 0 : i32
      %dma_wait3A_77 = tpu.memref_slice %arg5[%arg0, %add3A_48, %dma_wait3A] : memref<2x10240x128xf32, #tpu.memory_space<hbm>> -> memref<1x128x128xf32, #tpu.memory_space<hbm>>
      %dma_wait3A_78 = tpu.memref_squeeze %dma_wait3A_77 : memref<1x128x128xf32, #tpu.memory_space<hbm>> -> memref<128x128xf32, #tpu.memory_space<hbm>>
      %dma_wait3A_79 = arith.constant 0 : i32
      %dma_wait3A_80 = tpu.memref_slice %arg9[%add3A_44, %dma_wait3A_79] : memref<10240x128xf32, #tpu.memory_space<vmem_shared>> -> memref<128x128xf32, #tpu.memory_space<vmem_shared>>
      tpu.wait_dma2 semaphore(%run_scoped3A : memref<!tpu.dma_semaphore, #tpu.memory_space<semaphore_mem>>) src(%dma_wait3A_80 : memref<128x128xf32, #tpu.memory_space<vmem_shared>>) dst(%dma_wait3A_78 : memref<128x128xf32, #tpu.memory_space<hbm>>)
      tpu.yield
    }) : () -> ()
    %mul3A_49 = arith.constant 640 : i32
    %mul3A_50 = arith.muli %arg1, %mul3A_49 : i32
    %add3A_51 = arith.constant 256 : i32
    %add3A_52 = arith.addi %mul3A_50, %add3A_51 : i32
    %mul3A_53 = arith.constant 640 : i32
    %mul3A_54 = arith.muli %arg1, %mul3A_53 : i32
    %add3A_55 = arith.constant 256 : i32
    %add3A_56 = arith.addi %mul3A_54, %add3A_55 : i32
    "tpu.region"() ({
      %run_scoped3A = tpu.sem_alloc : memref<!tpu.dma_semaphore, #tpu.memory_space<semaphore_mem>>
      %dma_start3A = arith.constant 0 : i32
      %dma_start3A_73 = tpu.memref_slice %arg5[%arg0, %add3A_56, %dma_start3A] : memref<2x10240x128xf32, #tpu.memory_space<hbm>> -> memref<1x128x128xf32, #tpu.memory_space<hbm>>
      %dma_start3A_74 = tpu.memref_squeeze %dma_start3A_73 : memref<1x128x128xf32, #tpu.memory_space<hbm>> -> memref<128x128xf32, #tpu.memory_space<hbm>>
      %dma_start3A_75 = arith.constant 0 : i32
      %dma_start3A_76 = tpu.memref_slice %arg9[%add3A_52, %dma_start3A_75] : memref<10240x128xf32, #tpu.memory_space<vmem_shared>> -> memref<128x128xf32, #tpu.memory_space<vmem_shared>>
      tpu.enqueue_dma source(%dma_start3A_76 : memref<128x128xf32, #tpu.memory_space<vmem_shared>>) target(%dma_start3A_74 : memref<128x128xf32, #tpu.memory_space<hbm>>) target_semaphore(%run_scoped3A : memref<!tpu.dma_semaphore, #tpu.memory_space<semaphore_mem>>)
      %dma_wait3A = arith.constant 0 : i32
      %dma_wait3A_77 = tpu.memref_slice %arg5[%arg0, %add3A_56, %dma_wait3A] : memref<2x10240x128xf32, #tpu.memory_space<hbm>> -> memref<1x128x128xf32, #tpu.memory_space<hbm>>
      %dma_wait3A_78 = tpu.memref_squeeze %dma_wait3A_77 : memref<1x128x128xf32, #tpu.memory_space<hbm>> -> memref<128x128xf32, #tpu.memory_space<hbm>>
      %dma_wait3A_79 = arith.constant 0 : i32
      %dma_wait3A_80 = tpu.memref_slice %arg9[%add3A_52, %dma_wait3A_79] : memref<10240x128xf32, #tpu.memory_space<vmem_shared>> -> memref<128x128xf32, #tpu.memory_space<vmem_shared>>
      tpu.wait_dma2 semaphore(%run_scoped3A : memref<!tpu.dma_semaphore, #tpu.memory_space<semaphore_mem>>) src(%dma_wait3A_80 : memref<128x128xf32, #tpu.memory_space<vmem_shared>>) dst(%dma_wait3A_78 : memref<128x128xf32, #tpu.memory_space<hbm>>)
      tpu.yield
    }) : () -> ()
    %mul3A_57 = arith.constant 640 : i32
    %mul3A_58 = arith.muli %arg1, %mul3A_57 : i32
    %add3A_59 = arith.constant 384 : i32
    %add3A_60 = arith.addi %mul3A_58, %add3A_59 : i32
    %mul3A_61 = arith.constant 640 : i32
    %mul3A_62 = arith.muli %arg1, %mul3A_61 : i32
    %add3A_63 = arith.constant 384 : i32
    %add3A_64 = arith.addi %mul3A_62, %add3A_63 : i32
    "tpu.region"() ({
      %run_scoped3A = tpu.sem_alloc : memref<!tpu.dma_semaphore, #tpu.memory_space<semaphore_mem>>
      %dma_start3A = arith.constant 0 : i32
      %dma_start3A_73 = tpu.memref_slice %arg5[%arg0, %add3A_64, %dma_start3A] : memref<2x10240x128xf32, #tpu.memory_space<hbm>> -> memref<1x128x128xf32, #tpu.memory_space<hbm>>
      %dma_start3A_74 = tpu.memref_squeeze %dma_start3A_73 : memref<1x128x128xf32, #tpu.memory_space<hbm>> -> memref<128x128xf32, #tpu.memory_space<hbm>>
      %dma_start3A_75 = arith.constant 0 : i32
      %dma_start3A_76 = tpu.memref_slice %arg9[%add3A_60, %dma_start3A_75] : memref<10240x128xf32, #tpu.memory_space<vmem_shared>> -> memref<128x128xf32, #tpu.memory_space<vmem_shared>>
      tpu.enqueue_dma source(%dma_start3A_76 : memref<128x128xf32, #tpu.memory_space<vmem_shared>>) target(%dma_start3A_74 : memref<128x128xf32, #tpu.memory_space<hbm>>) target_semaphore(%run_scoped3A : memref<!tpu.dma_semaphore, #tpu.memory_space<semaphore_mem>>)
      %dma_wait3A = arith.constant 0 : i32
      %dma_wait3A_77 = tpu.memref_slice %arg5[%arg0, %add3A_64, %dma_wait3A] : memref<2x10240x128xf32, #tpu.memory_space<hbm>> -> memref<1x128x128xf32, #tpu.memory_space<hbm>>
      %dma_wait3A_78 = tpu.memref_squeeze %dma_wait3A_77 : memref<1x128x128xf32, #tpu.memory_space<hbm>> -> memref<128x128xf32, #tpu.memory_space<hbm>>
      %dma_wait3A_79 = arith.constant 0 : i32
      %dma_wait3A_80 = tpu.memref_slice %arg9[%add3A_60, %dma_wait3A_79] : memref<10240x128xf32, #tpu.memory_space<vmem_shared>> -> memref<128x128xf32, #tpu.memory_space<vmem_shared>>
      tpu.wait_dma2 semaphore(%run_scoped3A : memref<!tpu.dma_semaphore, #tpu.memory_space<semaphore_mem>>) src(%dma_wait3A_80 : memref<128x128xf32, #tpu.memory_space<vmem_shared>>) dst(%dma_wait3A_78 : memref<128x128xf32, #tpu.memory_space<hbm>>)
      tpu.yield
    }) : () -> ()
    %mul3A_65 = arith.constant 640 : i32
    %mul3A_66 = arith.muli %arg1, %mul3A_65 : i32
    %add3A_67 = arith.constant 512 : i32
    %add3A_68 = arith.addi %mul3A_66, %add3A_67 : i32
    %mul3A_69 = arith.constant 640 : i32
    %mul3A_70 = arith.muli %arg1, %mul3A_69 : i32
    %add3A_71 = arith.constant 512 : i32
    %add3A_72 = arith.addi %mul3A_70, %add3A_71 : i32
    "tpu.region"() ({
      %run_scoped3A = tpu.sem_alloc : memref<!tpu.dma_semaphore, #tpu.memory_space<semaphore_mem>>
      %dma_start3A = arith.constant 0 : i32
      %dma_start3A_73 = tpu.memref_slice %arg5[%arg0, %add3A_72, %dma_start3A] : memref<2x10240x128xf32, #tpu.memory_space<hbm>> -> memref<1x128x128xf32, #tpu.memory_space<hbm>>
      %dma_start3A_74 = tpu.memref_squeeze %dma_start3A_73 : memref<1x128x128xf32, #tpu.memory_space<hbm>> -> memref<128x128xf32, #tpu.memory_space<hbm>>
      %dma_start3A_75 = arith.constant 0 : i32
      %dma_start3A_76 = tpu.memref_slice %arg9[%add3A_68, %dma_start3A_75] : memref<10240x128xf32, #tpu.memory_space<vmem_shared>> -> memref<128x128xf32, #tpu.memory_space<vmem_shared>>
      tpu.enqueue_dma source(%dma_start3A_76 : memref<128x128xf32, #tpu.memory_space<vmem_shared>>) target(%dma_start3A_74 : memref<128x128xf32, #tpu.memory_space<hbm>>) target_semaphore(%run_scoped3A : memref<!tpu.dma_semaphore, #tpu.memory_space<semaphore_mem>>)
      %dma_wait3A = arith.constant 0 : i32
      %dma_wait3A_77 = tpu.memref_slice %arg5[%arg0, %add3A_72, %dma_wait3A] : memref<2x10240x128xf32, #tpu.memory_space<hbm>> -> memref<1x128x128xf32, #tpu.memory_space<hbm>>
      %dma_wait3A_78 = tpu.memref_squeeze %dma_wait3A_77 : memref<1x128x128xf32, #tpu.memory_space<hbm>> -> memref<128x128xf32, #tpu.memory_space<hbm>>
      %dma_wait3A_79 = arith.constant 0 : i32
      %dma_wait3A_80 = tpu.memref_slice %arg9[%add3A_68, %dma_wait3A_79] : memref<10240x128xf32, #tpu.memory_space<vmem_shared>> -> memref<128x128xf32, #tpu.memory_space<vmem_shared>>
      tpu.wait_dma2 semaphore(%run_scoped3A : memref<!tpu.dma_semaphore, #tpu.memory_space<semaphore_mem>>) src(%dma_wait3A_80 : memref<128x128xf32, #tpu.memory_space<vmem_shared>>) dst(%dma_wait3A_78 : memref<128x128xf32, #tpu.memory_space<hbm>>)
      tpu.yield
    }) : () -> ()
    return
  }
}

#map = affine_map<(d0, d1) -> (0, 0, 0)>
#map1 = affine_map<(d0, d1) -> (0, 0)>
module attributes {stable_mosaic.version = 14 : i64} {
  func.func @deg_kernel(%arg0: i32, %arg1: i32, %arg2: memref<32x79x128xi32, #tpu.memory_space<hbm>>, %arg3: memref<2x10240xf32, #tpu.memory_space<hbm>>, %arg4: memref<79x128xi32, #tpu.memory_space<vmem>>, %arg5: memref<128xf32, #tpu.memory_space<vmem>>, %arg6: memref<640xf32, #tpu.memory_space<vmem>>, %arg7: memref<10240xf32, #tpu.memory_space<vmem_shared>>, %arg8: memref<!tpu.dma_semaphore, #tpu.memory_space<semaphore_mem>>) attributes {dimension_semantics = [#tpu.dimension_semantics<core_parallel>, #tpu.dimension_semantics<subcore_parallel>], iteration_bounds = array<i64: 2, 16>, scalar_prefetch = 0 : i64, scratch_operands = 5 : i64, tpu.core_type = #tpu.core_type<sc_vector_subcore>, window_params = [{transform_indices = #map}, {transform_indices = #map1}]} {
    %mul3A = arith.constant 16 : i32
    %mul3A_0 = arith.muli %arg0, %mul3A : i32
    %add3A = arith.addi %mul3A_0, %arg1 : i32
    %scan3A = arith.constant 0 : i32
    %scan3A_1 = arith.constant 0 : i32
    %scan3A_2 = arith.constant 40 : i32
    %scan3A_3 = arith.addi %scan3A_1, %scan3A_2 : i32
    %scan3A_4 = arith.constant 1 : i32
    scf.for %scan3A_71 = %scan3A_1 to %scan3A_3 step %scan3A_4  : i32 {
      %broadcast_in_dim3A_72 = arith.constant 0.000000e+00 : f32
      %broadcast_in_dim3A_73 = vector.broadcast %broadcast_in_dim3A_72 : f32 to vector<16xf32>
      %mul3A_74 = arith.constant 16 : i32
      %mul3A_75 = arith.muli %scan3A_71, %mul3A_74 : i32
      %swap3A_76 = arith.index_cast %mul3A_75 : i32 to index
      %swap3A_77 = tpu.vector_load %arg6[%swap3A_76] {strides = array<i32>} : memref<640xf32, #tpu.memory_space<vmem>>, vector<16xf32>,
      %swap3A_78 = vector.shape_cast %swap3A_77 : vector<16xf32> to vector<16xf32>
      %swap3A_79 = vector.shape_cast %broadcast_in_dim3A_73 : vector<16xf32> to vector<16xf32>
      tpu.vector_store %arg6[%swap3A_76], %swap3A_79 {strides = array<i32>} : memref<640xf32, #tpu.memory_space<vmem>>, vector<16xf32>,
    }
    %scan3A_5 = arith.constant 40 : i32
    %broadcast_in_dim3A = arith.constant 1.000000e+00 : f32
    %broadcast_in_dim3A_6 = vector.broadcast %broadcast_in_dim3A : f32 to vector<16xf32>
    %swap3A = arith.constant 0 : index
    %swap3A_7 = tpu.vector_load %arg5[%swap3A] {strides = array<i32>} : memref<128xf32, #tpu.memory_space<vmem>>, vector<16xf32>,
    %swap3A_8 = vector.shape_cast %swap3A_7 : vector<16xf32> to vector<16xf32>
    %swap3A_9 = vector.shape_cast %broadcast_in_dim3A_6 : vector<16xf32> to vector<16xf32>
    tpu.vector_store %arg5[%swap3A], %swap3A_9 {strides = array<i32>} : memref<128xf32, #tpu.memory_space<vmem>>, vector<16xf32>,
    %broadcast_in_dim3A_10 = arith.constant 1.000000e+00 : f32
    %broadcast_in_dim3A_11 = vector.broadcast %broadcast_in_dim3A_10 : f32 to vector<16xf32>
    %swap3A_12 = arith.constant 16 : index
    %swap3A_13 = tpu.vector_load %arg5[%swap3A_12] {strides = array<i32>} : memref<128xf32, #tpu.memory_space<vmem>>, vector<16xf32>,
    %swap3A_14 = vector.shape_cast %swap3A_13 : vector<16xf32> to vector<16xf32>
    %swap3A_15 = vector.shape_cast %broadcast_in_dim3A_11 : vector<16xf32> to vector<16xf32>
    tpu.vector_store %arg5[%swap3A_12], %swap3A_15 {strides = array<i32>} : memref<128xf32, #tpu.memory_space<vmem>>, vector<16xf32>,
    %broadcast_in_dim3A_16 = arith.constant 1.000000e+00 : f32
    %broadcast_in_dim3A_17 = vector.broadcast %broadcast_in_dim3A_16 : f32 to vector<16xf32>
    %swap3A_18 = arith.constant 32 : index
    %swap3A_19 = tpu.vector_load %arg5[%swap3A_18] {strides = array<i32>} : memref<128xf32, #tpu.memory_space<vmem>>, vector<16xf32>,
    %swap3A_20 = vector.shape_cast %swap3A_19 : vector<16xf32> to vector<16xf32>
    %swap3A_21 = vector.shape_cast %broadcast_in_dim3A_17 : vector<16xf32> to vector<16xf32>
    tpu.vector_store %arg5[%swap3A_18], %swap3A_21 {strides = array<i32>} : memref<128xf32, #tpu.memory_space<vmem>>, vector<16xf32>,
    %broadcast_in_dim3A_22 = arith.constant 1.000000e+00 : f32
    %broadcast_in_dim3A_23 = vector.broadcast %broadcast_in_dim3A_22 : f32 to vector<16xf32>
    %swap3A_24 = arith.constant 48 : index
    %swap3A_25 = tpu.vector_load %arg5[%swap3A_24] {strides = array<i32>} : memref<128xf32, #tpu.memory_space<vmem>>, vector<16xf32>,
    %swap3A_26 = vector.shape_cast %swap3A_25 : vector<16xf32> to vector<16xf32>
    %swap3A_27 = vector.shape_cast %broadcast_in_dim3A_23 : vector<16xf32> to vector<16xf32>
    tpu.vector_store %arg5[%swap3A_24], %swap3A_27 {strides = array<i32>} : memref<128xf32, #tpu.memory_space<vmem>>, vector<16xf32>,
    %broadcast_in_dim3A_28 = arith.constant 1.000000e+00 : f32
    %broadcast_in_dim3A_29 = vector.broadcast %broadcast_in_dim3A_28 : f32 to vector<16xf32>
    %swap3A_30 = arith.constant 64 : index
    %swap3A_31 = tpu.vector_load %arg5[%swap3A_30] {strides = array<i32>} : memref<128xf32, #tpu.memory_space<vmem>>, vector<16xf32>,
    %swap3A_32 = vector.shape_cast %swap3A_31 : vector<16xf32> to vector<16xf32>
    %swap3A_33 = vector.shape_cast %broadcast_in_dim3A_29 : vector<16xf32> to vector<16xf32>
    tpu.vector_store %arg5[%swap3A_30], %swap3A_33 {strides = array<i32>} : memref<128xf32, #tpu.memory_space<vmem>>, vector<16xf32>,
    %broadcast_in_dim3A_34 = arith.constant 1.000000e+00 : f32
    %broadcast_in_dim3A_35 = vector.broadcast %broadcast_in_dim3A_34 : f32 to vector<16xf32>
    %swap3A_36 = arith.constant 80 : index
    %swap3A_37 = tpu.vector_load %arg5[%swap3A_36] {strides = array<i32>} : memref<128xf32, #tpu.memory_space<vmem>>, vector<16xf32>,
    %swap3A_38 = vector.shape_cast %swap3A_37 : vector<16xf32> to vector<16xf32>
    %swap3A_39 = vector.shape_cast %broadcast_in_dim3A_35 : vector<16xf32> to vector<16xf32>
    tpu.vector_store %arg5[%swap3A_36], %swap3A_39 {strides = array<i32>} : memref<128xf32, #tpu.memory_space<vmem>>, vector<16xf32>,
    %broadcast_in_dim3A_40 = arith.constant 1.000000e+00 : f32
    %broadcast_in_dim3A_41 = vector.broadcast %broadcast_in_dim3A_40 : f32 to vector<16xf32>
    %swap3A_42 = arith.constant 96 : index
    %swap3A_43 = tpu.vector_load %arg5[%swap3A_42] {strides = array<i32>} : memref<128xf32, #tpu.memory_space<vmem>>, vector<16xf32>,
    %swap3A_44 = vector.shape_cast %swap3A_43 : vector<16xf32> to vector<16xf32>
    %swap3A_45 = vector.shape_cast %broadcast_in_dim3A_41 : vector<16xf32> to vector<16xf32>
    tpu.vector_store %arg5[%swap3A_42], %swap3A_45 {strides = array<i32>} : memref<128xf32, #tpu.memory_space<vmem>>, vector<16xf32>,
    %broadcast_in_dim3A_46 = arith.constant 1.000000e+00 : f32
    %broadcast_in_dim3A_47 = vector.broadcast %broadcast_in_dim3A_46 : f32 to vector<16xf32>
    %swap3A_48 = arith.constant 112 : index
    %swap3A_49 = tpu.vector_load %arg5[%swap3A_48] {strides = array<i32>} : memref<128xf32, #tpu.memory_space<vmem>>, vector<16xf32>,
    %swap3A_50 = vector.shape_cast %swap3A_49 : vector<16xf32> to vector<16xf32>
    %swap3A_51 = vector.shape_cast %broadcast_in_dim3A_47 : vector<16xf32> to vector<16xf32>
    tpu.vector_store %arg5[%swap3A_48], %swap3A_51 {strides = array<i32>} : memref<128xf32, #tpu.memory_space<vmem>>, vector<16xf32>,
    %mul3A_52 = arith.constant 640 : i32
    %mul3A_53 = arith.muli %arg1, %mul3A_52 : i32
    "tpu.region"() ({
      %run_scoped3A = tpu.sem_alloc : memref<!tpu.dma_semaphore, #tpu.memory_space<semaphore_mem>>
      %dma_start3A = tpu.memref_slice %arg7[%mul3A_53] : memref<10240xf32, #tpu.memory_space<vmem_shared>> -> memref<640xf32, #tpu.memory_space<vmem_shared>>
      %dma_start3A_71 = tpu.memref_slice %arg7[%mul3A_53] : memref<10240xf32, #tpu.memory_space<vmem_shared>> -> memref<640xf32, #tpu.memory_space<vmem_shared>>
      tpu.enqueue_dma source(%arg6 : memref<640xf32, #tpu.memory_space<vmem>>) target(%dma_start3A_71 : memref<640xf32, #tpu.memory_space<vmem_shared>>) target_semaphore(%run_scoped3A : memref<!tpu.dma_semaphore, #tpu.memory_space<semaphore_mem>>)
      %dma_wait3A = tpu.memref_slice %arg7[%mul3A_53] : memref<10240xf32, #tpu.memory_space<vmem_shared>> -> memref<640xf32, #tpu.memory_space<vmem_shared>>
      %dma_wait3A_72 = tpu.memref_slice %arg7[%mul3A_53] : memref<10240xf32, #tpu.memory_space<vmem_shared>> -> memref<640xf32, #tpu.memory_space<vmem_shared>>
      tpu.wait_dma2 semaphore(%run_scoped3A : memref<!tpu.dma_semaphore, #tpu.memory_space<semaphore_mem>>) src(%arg6 : memref<640xf32, #tpu.memory_space<vmem>>) dst(%dma_wait3A_72 : memref<640xf32, #tpu.memory_space<vmem_shared>>)
      tpu.yield
    }) : () -> ()
    "tpu.region"() ({
      %run_scoped3A = tpu.sem_alloc : memref<!tpu.dma_semaphore, #tpu.memory_space<semaphore_mem>>
      %dma_start3A = arith.constant 0 : i32
      %dma_start3A_71 = arith.constant 0 : i32
      %dma_start3A_72 = tpu.memref_slice %arg2[%add3A, %dma_start3A, %dma_start3A_71] : memref<32x79x128xi32, #tpu.memory_space<hbm>> -> memref<1x79x128xi32, #tpu.memory_space<hbm>>
      %dma_start3A_73 = tpu.memref_squeeze %dma_start3A_72 : memref<1x79x128xi32, #tpu.memory_space<hbm>> -> memref<79x128xi32, #tpu.memory_space<hbm>>
      %dma_start3A_74 = arith.constant 0 : i32
      %dma_start3A_75 = arith.constant 0 : i32
      %dma_start3A_76 = tpu.memref_slice %arg2[%add3A, %dma_start3A_74, %dma_start3A_75] : memref<32x79x128xi32, #tpu.memory_space<hbm>> -> memref<1x79x128xi32, #tpu.memory_space<hbm>>
      %dma_start3A_77 = tpu.memref_squeeze %dma_start3A_76 : memref<1x79x128xi32, #tpu.memory_space<hbm>> -> memref<79x128xi32, #tpu.memory_space<hbm>>
      tpu.enqueue_dma source(%dma_start3A_77 : memref<79x128xi32, #tpu.memory_space<hbm>>) target(%arg4 : memref<79x128xi32, #tpu.memory_space<vmem>>) target_semaphore(%run_scoped3A : memref<!tpu.dma_semaphore, #tpu.memory_space<semaphore_mem>>)
      %dma_wait3A = arith.constant 0 : i32
      %dma_wait3A_78 = arith.constant 0 : i32
      %dma_wait3A_79 = tpu.memref_slice %arg2[%add3A, %dma_wait3A, %dma_wait3A_78] : memref<32x79x128xi32, #tpu.memory_space<hbm>> -> memref<1x79x128xi32, #tpu.memory_space<hbm>>
      %dma_wait3A_80 = tpu.memref_squeeze %dma_wait3A_79 : memref<1x79x128xi32, #tpu.memory_space<hbm>> -> memref<79x128xi32, #tpu.memory_space<hbm>>
      %dma_wait3A_81 = arith.constant 0 : i32
      %dma_wait3A_82 = arith.constant 0 : i32
      %dma_wait3A_83 = tpu.memref_slice %arg2[%add3A, %dma_wait3A_81, %dma_wait3A_82] : memref<32x79x128xi32, #tpu.memory_space<hbm>> -> memref<1x79x128xi32, #tpu.memory_space<hbm>>
      %dma_wait3A_84 = tpu.memref_squeeze %dma_wait3A_83 : memref<1x79x128xi32, #tpu.memory_space<hbm>> -> memref<79x128xi32, #tpu.memory_space<hbm>>
      tpu.wait_dma2 semaphore(%run_scoped3A : memref<!tpu.dma_semaphore, #tpu.memory_space<semaphore_mem>>) src(%dma_wait3A_84 : memref<79x128xi32, #tpu.memory_space<hbm>>) dst(%arg4 : memref<79x128xi32, #tpu.memory_space<vmem>>)
      tpu.yield
    }) : () -> ()
    %barrier3A = arith.constant 0 : index
    tpu.barrier barrier_id(%barrier3A)
    %scan3A_54 = arith.constant 0 : i32
    %scan3A_55 = arith.constant 0 : i32
    %scan3A_56 = arith.constant 79 : i32
    %scan3A_57 = arith.addi %scan3A_55, %scan3A_56 : i32
    %scan3A_58 = arith.constant 1 : i32
    scf.for %scan3A_71 = %scan3A_55 to %scan3A_57 step %scan3A_58  : i32 {
      %dma_start3A = arith.constant 0 : i32
      %dma_start3A_72 = tpu.memref_slice %arg4[%scan3A_71, %dma_start3A] : memref<79x128xi32, #tpu.memory_space<vmem>> -> memref<1x128xi32, #tpu.memory_space<vmem>>
      %dma_start3A_73 = tpu.memref_squeeze %dma_start3A_72 : memref<1x128xi32, #tpu.memory_space<vmem>> -> memref<128xi32, #tpu.memory_space<vmem>>
      %dma_start3A_74 = arith.constant 0 : i32
      %dma_start3A_75 = tpu.memref_slice %arg7[%dma_start3A_74] : memref<10240xf32, #tpu.memory_space<vmem_shared>> -> memref<10240xf32, #tpu.memory_space<vmem_shared>>
      tpu.enqueue_indirect_dma source(%arg5 : memref<128xf32, #tpu.memory_space<vmem>>) target(%dma_start3A_75 : memref<10240xf32, #tpu.memory_space<vmem_shared>>) offsets(%dma_start3A_73 : memref<128xi32, #tpu.memory_space<vmem>>) semaphore(%arg8 : memref<!tpu.dma_semaphore, #tpu.memory_space<semaphore_mem>>) {add = true}
    }
    %scan3A_59 = arith.constant 79 : i32
    %scan3A_60 = arith.constant 0 : i32
    %scan3A_61 = arith.constant 0 : i32
    %scan3A_62 = arith.constant 79 : i32
    %scan3A_63 = arith.addi %scan3A_61, %scan3A_62 : i32
    %scan3A_64 = arith.constant 1 : i32
    scf.for %scan3A_71 = %scan3A_61 to %scan3A_63 step %scan3A_64  : i32 {
      %dma_wait3A = arith.constant 0 : i32
      %dma_wait3A_72 = arith.constant 0 : i32
      %dma_wait3A_73 = tpu.memref_slice %arg4[%dma_wait3A, %dma_wait3A_72] : memref<79x128xi32, #tpu.memory_space<vmem>> -> memref<1x128xi32, #tpu.memory_space<vmem>>
      %dma_wait3A_74 = tpu.memref_squeeze %dma_wait3A_73 : memref<1x128xi32, #tpu.memory_space<vmem>> -> memref<128xi32, #tpu.memory_space<vmem>>
      %dma_wait3A_75 = arith.constant 0 : i32
      %dma_wait3A_76 = tpu.memref_slice %arg7[%dma_wait3A_75] : memref<10240xf32, #tpu.memory_space<vmem_shared>> -> memref<10240xf32, #tpu.memory_space<vmem_shared>>
      tpu.wait_indirect_dma semaphore(%arg8 : memref<!tpu.dma_semaphore, #tpu.memory_space<semaphore_mem>>) src(%arg5 : memref<128xf32, #tpu.memory_space<vmem>>) dst(%dma_wait3A_76 : memref<10240xf32, #tpu.memory_space<vmem_shared>>)
    }
    %scan3A_65 = arith.constant 79 : i32
    %barrier3A_66 = arith.constant 0 : index
    tpu.barrier barrier_id(%barrier3A_66)
    %mul3A_67 = arith.constant 640 : i32
    %mul3A_68 = arith.muli %arg1, %mul3A_67 : i32
    %mul3A_69 = arith.constant 640 : i32
    %mul3A_70 = arith.muli %arg1, %mul3A_69 : i32
    "tpu.region"() ({
      %run_scoped3A = tpu.sem_alloc : memref<!tpu.dma_semaphore, #tpu.memory_space<semaphore_mem>>
      %dma_start3A = tpu.memref_slice %arg3[%arg0, %mul3A_70] : memref<2x10240xf32, #tpu.memory_space<hbm>> -> memref<1x640xf32, #tpu.memory_space<hbm>>
      %dma_start3A_71 = tpu.memref_squeeze %dma_start3A : memref<1x640xf32, #tpu.memory_space<hbm>> -> memref<640xf32, #tpu.memory_space<hbm>>
      %dma_start3A_72 = tpu.memref_slice %arg7[%mul3A_68] : memref<10240xf32, #tpu.memory_space<vmem_shared>> -> memref<640xf32, #tpu.memory_space<vmem_shared>>
      tpu.enqueue_dma source(%dma_start3A_72 : memref<640xf32, #tpu.memory_space<vmem_shared>>) target(%dma_start3A_71 : memref<640xf32, #tpu.memory_space<hbm>>) target_semaphore(%run_scoped3A : memref<!tpu.dma_semaphore, #tpu.memory_space<semaphore_mem>>)
      %dma_wait3A = tpu.memref_slice %arg3[%arg0, %mul3A_70] : memref<2x10240xf32, #tpu.memory_space<hbm>> -> memref<1x640xf32, #tpu.memory_space<hbm>>
      %dma_wait3A_73 = tpu.memref_squeeze %dma_wait3A : memref<1x640xf32, #tpu.memory_space<hbm>> -> memref<640xf32, #tpu.memory_space<hbm>>
      %dma_wait3A_74 = tpu.memref_slice %arg7[%mul3A_68] : memref<10240xf32, #tpu.memory_space<vmem_shared>> -> memref<640xf32, #tpu.memory_space<vmem_shared>>
      tpu.wait_dma2 semaphore(%run_scoped3A : memref<!tpu.dma_semaphore, #tpu.memory_space<semaphore_mem>>) src(%dma_wait3A_74 : memref<640xf32, #tpu.memory_space<vmem_shared>>) dst(%dma_wait3A_73 : memref<640xf32, #tpu.memory_space<hbm>>)
      tpu.yield
    }) : () -> ()
    return
  }
}

#map = affine_map<(d0, d1) -> (0, 0)>
#map1 = affine_map<(d0, d1) -> (0, 0, 0)>
module attributes {stable_mosaic.version = 14 : i64} {
  func.func @prop_kernel(%arg0: i32, %arg1: i32, %arg2: memref<10000x128xf32, #tpu.memory_space<hbm>>, %arg3: memref<32x79x128xi32, #tpu.memory_space<hbm>>, %arg4: memref<32x79x128xi32, #tpu.memory_space<hbm>>, %arg5: memref<2x10240x128xf32, #tpu.memory_space<hbm>>, %arg6: memref<79x128xi32, #tpu.memory_space<vmem>>, %arg7: memref<79x128xi32, #tpu.memory_space<vmem>>, %arg8: memref<128x128xf32, #tpu.memory_space<vmem>>, %arg9: memref<10240x128xf32, #tpu.memory_space<vmem_shared>>, %arg10: memref<!tpu.dma_semaphore, #tpu.memory_space<semaphore_mem>>) attributes {dimension_semantics = [#tpu.dimension_semantics<core_parallel>, #tpu.dimension_semantics<subcore_parallel>], iteration_bounds = array<i64: 2, 16>, scalar_prefetch = 0 : i64, scratch_operands = 5 : i64, tpu.core_type = #tpu.core_type<sc_vector_subcore>, window_params = [{transform_indices = #map}, {transform_indices = #map1}, {transform_indices = #map1}, {transform_indices = #map1}]} {
    %mul3A = arith.constant 16 : i32
    %mul3A_0 = arith.muli %arg0, %mul3A : i32
    %add3A = arith.addi %mul3A_0, %arg1 : i32
    %scan3A = arith.constant 0 : i32
    %scan3A_1 = arith.constant 0 : i32
    %scan3A_2 = arith.constant 128 : i32
    %scan3A_3 = arith.addi %scan3A_1, %scan3A_2 : i32
    %scan3A_4 = arith.constant 1 : i32
    scf.for %scan3A_73 = %scan3A_1 to %scan3A_3 step %scan3A_4  : i32 {
      %broadcast_in_dim3A = arith.constant 0.000000e+00 : f32
      %broadcast_in_dim3A_74 = vector.broadcast %broadcast_in_dim3A : f32 to vector<16xf32>
      %swap3A = arith.index_cast %scan3A_73 : i32 to index
      %swap3A_75 = arith.constant 0 : index
      %swap3A_76 = tpu.vector_load %arg8[%swap3A, %swap3A_75] {strides = array<i32>} : memref<128x128xf32, #tpu.memory_space<vmem>>, vector<1x16xf32>,
      %swap3A_77 = vector.shape_cast %swap3A_76 : vector<1x16xf32> to vector<16xf32>
      %swap3A_78 = vector.shape_cast %broadcast_in_dim3A_74 : vector<16xf32> to vector<1x16xf32>
      tpu.vector_store %arg8[%swap3A, %swap3A_75], %swap3A_78 {strides = array<i32>} : memref<128x128xf32, #tpu.memory_space<vmem>>, vector<1x16xf32>,
      %broadcast_in_dim3A_79 = arith.constant 0.000000e+00 : f32
      %broadcast_in_dim3A_80 = vector.broadcast %broadcast_in_dim3A_79 : f32 to vector<16xf32>
      %swap3A_81 = arith.index_cast %scan3A_73 : i32 to index
      %swap3A_82 = arith.constant 16 : index
      %swap3A_83 = tpu.vector_load %arg8[%swap3A_81, %swap3A_82] {strides = array<i32>} : memref<128x128xf32, #tpu.memory_space<vmem>>, vector<1x16xf32>,
      %swap3A_84 = vector.shape_cast %swap3A_83 : vector<1x16xf32> to vector<16xf32>
      %swap3A_85 = vector.shape_cast %broadcast_in_dim3A_80 : vector<16xf32> to vector<1x16xf32>
      tpu.vector_store %arg8[%swap3A_81, %swap3A_82], %swap3A_85 {strides = array<i32>} : memref<128x128xf32, #tpu.memory_space<vmem>>, vector<1x16xf32>,
      %broadcast_in_dim3A_86 = arith.constant 0.000000e+00 : f32
      %broadcast_in_dim3A_87 = vector.broadcast %broadcast_in_dim3A_86 : f32 to vector<16xf32>
      %swap3A_88 = arith.index_cast %scan3A_73 : i32 to index
      %swap3A_89 = arith.constant 32 : index
      %swap3A_90 = tpu.vector_load %arg8[%swap3A_88, %swap3A_89] {strides = array<i32>} : memref<128x128xf32, #tpu.memory_space<vmem>>, vector<1x16xf32>,
      %swap3A_91 = vector.shape_cast %swap3A_90 : vector<1x16xf32> to vector<16xf32>
      %swap3A_92 = vector.shape_cast %broadcast_in_dim3A_87 : vector<16xf32> to vector<1x16xf32>
      tpu.vector_store %arg8[%swap3A_88, %swap3A_89], %swap3A_92 {strides = array<i32>} : memref<128x128xf32, #tpu.memory_space<vmem>>, vector<1x16xf32>,
      %broadcast_in_dim3A_93 = arith.constant 0.000000e+00 : f32
      %broadcast_in_dim3A_94 = vector.broadcast %broadcast_in_dim3A_93 : f32 to vector<16xf32>
      %swap3A_95 = arith.index_cast %scan3A_73 : i32 to index
      %swap3A_96 = arith.constant 48 : index
      %swap3A_97 = tpu.vector_load %arg8[%swap3A_95, %swap3A_96] {strides = array<i32>} : memref<128x128xf32, #tpu.memory_space<vmem>>, vector<1x16xf32>,
      %swap3A_98 = vector.shape_cast %swap3A_97 : vector<1x16xf32> to vector<16xf32>
      %swap3A_99 = vector.shape_cast %broadcast_in_dim3A_94 : vector<16xf32> to vector<1x16xf32>
      tpu.vector_store %arg8[%swap3A_95, %swap3A_96], %swap3A_99 {strides = array<i32>} : memref<128x128xf32, #tpu.memory_space<vmem>>, vector<1x16xf32>,
      %broadcast_in_dim3A_100 = arith.constant 0.000000e+00 : f32
      %broadcast_in_dim3A_101 = vector.broadcast %broadcast_in_dim3A_100 : f32 to vector<16xf32>
      %swap3A_102 = arith.index_cast %scan3A_73 : i32 to index
      %swap3A_103 = arith.constant 64 : index
      %swap3A_104 = tpu.vector_load %arg8[%swap3A_102, %swap3A_103] {strides = array<i32>} : memref<128x128xf32, #tpu.memory_space<vmem>>, vector<1x16xf32>,
      %swap3A_105 = vector.shape_cast %swap3A_104 : vector<1x16xf32> to vector<16xf32>
      %swap3A_106 = vector.shape_cast %broadcast_in_dim3A_101 : vector<16xf32> to vector<1x16xf32>
      tpu.vector_store %arg8[%swap3A_102, %swap3A_103], %swap3A_106 {strides = array<i32>} : memref<128x128xf32, #tpu.memory_space<vmem>>, vector<1x16xf32>,
      %broadcast_in_dim3A_107 = arith.constant 0.000000e+00 : f32
      %broadcast_in_dim3A_108 = vector.broadcast %broadcast_in_dim3A_107 : f32 to vector<16xf32>
      %swap3A_109 = arith.index_cast %scan3A_73 : i32 to index
      %swap3A_110 = arith.constant 80 : index
      %swap3A_111 = tpu.vector_load %arg8[%swap3A_109, %swap3A_110] {strides = array<i32>} : memref<128x128xf32, #tpu.memory_space<vmem>>, vector<1x16xf32>,
      %swap3A_112 = vector.shape_cast %swap3A_111 : vector<1x16xf32> to vector<16xf32>
      %swap3A_113 = vector.shape_cast %broadcast_in_dim3A_108 : vector<16xf32> to vector<1x16xf32>
      tpu.vector_store %arg8[%swap3A_109, %swap3A_110], %swap3A_113 {strides = array<i32>} : memref<128x128xf32, #tpu.memory_space<vmem>>, vector<1x16xf32>,
      %broadcast_in_dim3A_114 = arith.constant 0.000000e+00 : f32
      %broadcast_in_dim3A_115 = vector.broadcast %broadcast_in_dim3A_114 : f32 to vector<16xf32>
      %swap3A_116 = arith.index_cast %scan3A_73 : i32 to index
      %swap3A_117 = arith.constant 96 : index
      %swap3A_118 = tpu.vector_load %arg8[%swap3A_116, %swap3A_117] {strides = array<i32>} : memref<128x128xf32, #tpu.memory_space<vmem>>, vector<1x16xf32>,
      %swap3A_119 = vector.shape_cast %swap3A_118 : vector<1x16xf32> to vector<16xf32>
      %swap3A_120 = vector.shape_cast %broadcast_in_dim3A_115 : vector<16xf32> to vector<1x16xf32>
      tpu.vector_store %arg8[%swap3A_116, %swap3A_117], %swap3A_120 {strides = array<i32>} : memref<128x128xf32, #tpu.memory_space<vmem>>, vector<1x16xf32>,
      %broadcast_in_dim3A_121 = arith.constant 0.000000e+00 : f32
      %broadcast_in_dim3A_122 = vector.broadcast %broadcast_in_dim3A_121 : f32 to vector<16xf32>
      %swap3A_123 = arith.index_cast %scan3A_73 : i32 to index
      %swap3A_124 = arith.constant 112 : index
      %swap3A_125 = tpu.vector_load %arg8[%swap3A_123, %swap3A_124] {strides = array<i32>} : memref<128x128xf32, #tpu.memory_space<vmem>>, vector<1x16xf32>,
      %swap3A_126 = vector.shape_cast %swap3A_125 : vector<1x16xf32> to vector<16xf32>
      %swap3A_127 = vector.shape_cast %broadcast_in_dim3A_122 : vector<16xf32> to vector<1x16xf32>
      tpu.vector_store %arg8[%swap3A_123, %swap3A_124], %swap3A_127 {strides = array<i32>} : memref<128x128xf32, #tpu.memory_space<vmem>>, vector<1x16xf32>,
    }
    %scan3A_5 = arith.constant 128 : i32
    %mul3A_6 = arith.constant 640 : i32
    %mul3A_7 = arith.muli %arg1, %mul3A_6 : i32
    %add3A_8 = arith.constant 0 : i32
    %add3A_9 = arith.addi %mul3A_7, %add3A_8 : i32
    "tpu.region"() ({
      %run_scoped3A = tpu.sem_alloc : memref<!tpu.dma_semaphore, #tpu.memory_space<semaphore_mem>>
      %dma_start3A = arith.constant 0 : i32
      %dma_start3A_73 = tpu.memref_slice %arg9[%add3A_9, %dma_start3A] : memref<10240x128xf32, #tpu.memory_space<vmem_shared>> -> memref<128x128xf32, #tpu.memory_space<vmem_shared>>
      %dma_start3A_74 = arith.constant 0 : i32
      %dma_start3A_75 = tpu.memref_slice %arg9[%add3A_9, %dma_start3A_74] : memref<10240x128xf32, #tpu.memory_space<vmem_shared>> -> memref<128x128xf32, #tpu.memory_space<vmem_shared>>
      tpu.enqueue_dma source(%arg8 : memref<128x128xf32, #tpu.memory_space<vmem>>) target(%dma_start3A_75 : memref<128x128xf32, #tpu.memory_space<vmem_shared>>) target_semaphore(%run_scoped3A : memref<!tpu.dma_semaphore, #tpu.memory_space<semaphore_mem>>)
      %dma_wait3A = arith.constant 0 : i32
      %dma_wait3A_76 = tpu.memref_slice %arg9[%add3A_9, %dma_wait3A] : memref<10240x128xf32, #tpu.memory_space<vmem_shared>> -> memref<128x128xf32, #tpu.memory_space<vmem_shared>>
      %dma_wait3A_77 = arith.constant 0 : i32
      %dma_wait3A_78 = tpu.memref_slice %arg9[%add3A_9, %dma_wait3A_77] : memref<10240x128xf32, #tpu.memory_space<vmem_shared>> -> memref<128x128xf32, #tpu.memory_space<vmem_shared>>
      tpu.wait_dma2 semaphore(%run_scoped3A : memref<!tpu.dma_semaphore, #tpu.memory_space<semaphore_mem>>) src(%arg8 : memref<128x128xf32, #tpu.memory_space<vmem>>) dst(%dma_wait3A_78 : memref<128x128xf32, #tpu.memory_space<vmem_shared>>)
      tpu.yield
    }) : () -> ()
    %mul3A_10 = arith.constant 640 : i32
    %mul3A_11 = arith.muli %arg1, %mul3A_10 : i32
    %add3A_12 = arith.constant 128 : i32
    %add3A_13 = arith.addi %mul3A_11, %add3A_12 : i32
    "tpu.region"() ({
      %run_scoped3A = tpu.sem_alloc : memref<!tpu.dma_semaphore, #tpu.memory_space<semaphore_mem>>
      %dma_start3A = arith.constant 0 : i32
      %dma_start3A_73 = tpu.memref_slice %arg9[%add3A_13, %dma_start3A] : memref<10240x128xf32, #tpu.memory_space<vmem_shared>> -> memref<128x128xf32, #tpu.memory_space<vmem_shared>>
      %dma_start3A_74 = arith.constant 0 : i32
      %dma_start3A_75 = tpu.memref_slice %arg9[%add3A_13, %dma_start3A_74] : memref<10240x128xf32, #tpu.memory_space<vmem_shared>> -> memref<128x128xf32, #tpu.memory_space<vmem_shared>>
      tpu.enqueue_dma source(%arg8 : memref<128x128xf32, #tpu.memory_space<vmem>>) target(%dma_start3A_75 : memref<128x128xf32, #tpu.memory_space<vmem_shared>>) target_semaphore(%run_scoped3A : memref<!tpu.dma_semaphore, #tpu.memory_space<semaphore_mem>>)
      %dma_wait3A = arith.constant 0 : i32
      %dma_wait3A_76 = tpu.memref_slice %arg9[%add3A_13, %dma_wait3A] : memref<10240x128xf32, #tpu.memory_space<vmem_shared>> -> memref<128x128xf32, #tpu.memory_space<vmem_shared>>
      %dma_wait3A_77 = arith.constant 0 : i32
      %dma_wait3A_78 = tpu.memref_slice %arg9[%add3A_13, %dma_wait3A_77] : memref<10240x128xf32, #tpu.memory_space<vmem_shared>> -> memref<128x128xf32, #tpu.memory_space<vmem_shared>>
      tpu.wait_dma2 semaphore(%run_scoped3A : memref<!tpu.dma_semaphore, #tpu.memory_space<semaphore_mem>>) src(%arg8 : memref<128x128xf32, #tpu.memory_space<vmem>>) dst(%dma_wait3A_78 : memref<128x128xf32, #tpu.memory_space<vmem_shared>>)
      tpu.yield
    }) : () -> ()
    %mul3A_14 = arith.constant 640 : i32
    %mul3A_15 = arith.muli %arg1, %mul3A_14 : i32
    %add3A_16 = arith.constant 256 : i32
    %add3A_17 = arith.addi %mul3A_15, %add3A_16 : i32
    "tpu.region"() ({
      %run_scoped3A = tpu.sem_alloc : memref<!tpu.dma_semaphore, #tpu.memory_space<semaphore_mem>>
      %dma_start3A = arith.constant 0 : i32
      %dma_start3A_73 = tpu.memref_slice %arg9[%add3A_17, %dma_start3A] : memref<10240x128xf32, #tpu.memory_space<vmem_shared>> -> memref<128x128xf32, #tpu.memory_space<vmem_shared>>
      %dma_start3A_74 = arith.constant 0 : i32
      %dma_start3A_75 = tpu.memref_slice %arg9[%add3A_17, %dma_start3A_74] : memref<10240x128xf32, #tpu.memory_space<vmem_shared>> -> memref<128x128xf32, #tpu.memory_space<vmem_shared>>
      tpu.enqueue_dma source(%arg8 : memref<128x128xf32, #tpu.memory_space<vmem>>) target(%dma_start3A_75 : memref<128x128xf32, #tpu.memory_space<vmem_shared>>) target_semaphore(%run_scoped3A : memref<!tpu.dma_semaphore, #tpu.memory_space<semaphore_mem>>)
      %dma_wait3A = arith.constant 0 : i32
      %dma_wait3A_76 = tpu.memref_slice %arg9[%add3A_17, %dma_wait3A] : memref<10240x128xf32, #tpu.memory_space<vmem_shared>> -> memref<128x128xf32, #tpu.memory_space<vmem_shared>>
      %dma_wait3A_77 = arith.constant 0 : i32
      %dma_wait3A_78 = tpu.memref_slice %arg9[%add3A_17, %dma_wait3A_77] : memref<10240x128xf32, #tpu.memory_space<vmem_shared>> -> memref<128x128xf32, #tpu.memory_space<vmem_shared>>
      tpu.wait_dma2 semaphore(%run_scoped3A : memref<!tpu.dma_semaphore, #tpu.memory_space<semaphore_mem>>) src(%arg8 : memref<128x128xf32, #tpu.memory_space<vmem>>) dst(%dma_wait3A_78 : memref<128x128xf32, #tpu.memory_space<vmem_shared>>)
      tpu.yield
    }) : () -> ()
    %mul3A_18 = arith.constant 640 : i32
    %mul3A_19 = arith.muli %arg1, %mul3A_18 : i32
    %add3A_20 = arith.constant 384 : i32
    %add3A_21 = arith.addi %mul3A_19, %add3A_20 : i32
    "tpu.region"() ({
      %run_scoped3A = tpu.sem_alloc : memref<!tpu.dma_semaphore, #tpu.memory_space<semaphore_mem>>
      %dma_start3A = arith.constant 0 : i32
      %dma_start3A_73 = tpu.memref_slice %arg9[%add3A_21, %dma_start3A] : memref<10240x128xf32, #tpu.memory_space<vmem_shared>> -> memref<128x128xf32, #tpu.memory_space<vmem_shared>>
      %dma_start3A_74 = arith.constant 0 : i32
      %dma_start3A_75 = tpu.memref_slice %arg9[%add3A_21, %dma_start3A_74] : memref<10240x128xf32, #tpu.memory_space<vmem_shared>> -> memref<128x128xf32, #tpu.memory_space<vmem_shared>>
      tpu.enqueue_dma source(%arg8 : memref<128x128xf32, #tpu.memory_space<vmem>>) target(%dma_start3A_75 : memref<128x128xf32, #tpu.memory_space<vmem_shared>>) target_semaphore(%run_scoped3A : memref<!tpu.dma_semaphore, #tpu.memory_space<semaphore_mem>>)
      %dma_wait3A = arith.constant 0 : i32
      %dma_wait3A_76 = tpu.memref_slice %arg9[%add3A_21, %dma_wait3A] : memref<10240x128xf32, #tpu.memory_space<vmem_shared>> -> memref<128x128xf32, #tpu.memory_space<vmem_shared>>
      %dma_wait3A_77 = arith.constant 0 : i32
      %dma_wait3A_78 = tpu.memref_slice %arg9[%add3A_21, %dma_wait3A_77] : memref<10240x128xf32, #tpu.memory_space<vmem_shared>> -> memref<128x128xf32, #tpu.memory_space<vmem_shared>>
      tpu.wait_dma2 semaphore(%run_scoped3A : memref<!tpu.dma_semaphore, #tpu.memory_space<semaphore_mem>>) src(%arg8 : memref<128x128xf32, #tpu.memory_space<vmem>>) dst(%dma_wait3A_78 : memref<128x128xf32, #tpu.memory_space<vmem_shared>>)
      tpu.yield
    }) : () -> ()
    %mul3A_22 = arith.constant 640 : i32
    %mul3A_23 = arith.muli %arg1, %mul3A_22 : i32
    %add3A_24 = arith.constant 512 : i32
    %add3A_25 = arith.addi %mul3A_23, %add3A_24 : i32
    "tpu.region"() ({
      %run_scoped3A = tpu.sem_alloc : memref<!tpu.dma_semaphore, #tpu.memory_space<semaphore_mem>>
      %dma_start3A = arith.constant 0 : i32
      %dma_start3A_73 = tpu.memref_slice %arg9[%add3A_25, %dma_start3A] : memref<10240x128xf32, #tpu.memory_space<vmem_shared>> -> memref<128x128xf32, #tpu.memory_space<vmem_shared>>
      %dma_start3A_74 = arith.constant 0 : i32
      %dma_start3A_75 = tpu.memref_slice %arg9[%add3A_25, %dma_start3A_74] : memref<10240x128xf32, #tpu.memory_space<vmem_shared>> -> memref<128x128xf32, #tpu.memory_space<vmem_shared>>
      tpu.enqueue_dma source(%arg8 : memref<128x128xf32, #tpu.memory_space<vmem>>) target(%dma_start3A_75 : memref<128x128xf32, #tpu.memory_space<vmem_shared>>) target_semaphore(%run_scoped3A : memref<!tpu.dma_semaphore, #tpu.memory_space<semaphore_mem>>)
      %dma_wait3A = arith.constant 0 : i32
      %dma_wait3A_76 = tpu.memref_slice %arg9[%add3A_25, %dma_wait3A] : memref<10240x128xf32, #tpu.memory_space<vmem_shared>> -> memref<128x128xf32, #tpu.memory_space<vmem_shared>>
      %dma_wait3A_77 = arith.constant 0 : i32
      %dma_wait3A_78 = tpu.memref_slice %arg9[%add3A_25, %dma_wait3A_77] : memref<10240x128xf32, #tpu.memory_space<vmem_shared>> -> memref<128x128xf32, #tpu.memory_space<vmem_shared>>
      tpu.wait_dma2 semaphore(%run_scoped3A : memref<!tpu.dma_semaphore, #tpu.memory_space<semaphore_mem>>) src(%arg8 : memref<128x128xf32, #tpu.memory_space<vmem>>) dst(%dma_wait3A_78 : memref<128x128xf32, #tpu.memory_space<vmem_shared>>)
      tpu.yield
    }) : () -> ()
    "tpu.region"() ({
      %run_scoped3A = tpu.sem_alloc : memref<!tpu.dma_semaphore, #tpu.memory_space<semaphore_mem>>
      %dma_start3A = arith.constant 0 : i32
      %dma_start3A_73 = arith.constant 0 : i32
      %dma_start3A_74 = tpu.memref_slice %arg3[%add3A, %dma_start3A, %dma_start3A_73] : memref<32x79x128xi32, #tpu.memory_space<hbm>> -> memref<1x79x128xi32, #tpu.memory_space<hbm>>
      %dma_start3A_75 = tpu.memref_squeeze %dma_start3A_74 : memref<1x79x128xi32, #tpu.memory_space<hbm>> -> memref<79x128xi32, #tpu.memory_space<hbm>>
      %dma_start3A_76 = arith.constant 0 : i32
      %dma_start3A_77 = arith.constant 0 : i32
      %dma_start3A_78 = tpu.memref_slice %arg3[%add3A, %dma_start3A_76, %dma_start3A_77] : memref<32x79x128xi32, #tpu.memory_space<hbm>> -> memref<1x79x128xi32, #tpu.memory_space<hbm>>
      %dma_start3A_79 = tpu.memref_squeeze %dma_start3A_78 : memref<1x79x128xi32, #tpu.memory_space<hbm>> -> memref<79x128xi32, #tpu.memory_space<hbm>>
      tpu.enqueue_dma source(%dma_start3A_79 : memref<79x128xi32, #tpu.memory_space<hbm>>) target(%arg6 : memref<79x128xi32, #tpu.memory_space<vmem>>) target_semaphore(%run_scoped3A : memref<!tpu.dma_semaphore, #tpu.memory_space<semaphore_mem>>)
      %dma_wait3A = arith.constant 0 : i32
      %dma_wait3A_80 = arith.constant 0 : i32
      %dma_wait3A_81 = tpu.memref_slice %arg3[%add3A, %dma_wait3A, %dma_wait3A_80] : memref<32x79x128xi32, #tpu.memory_space<hbm>> -> memref<1x79x128xi32, #tpu.memory_space<hbm>>
      %dma_wait3A_82 = tpu.memref_squeeze %dma_wait3A_81 : memref<1x79x128xi32, #tpu.memory_space<hbm>> -> memref<79x128xi32, #tpu.memory_space<hbm>>
      %dma_wait3A_83 = arith.constant 0 : i32
      %dma_wait3A_84 = arith.constant 0 : i32
      %dma_wait3A_85 = tpu.memref_slice %arg3[%add3A, %dma_wait3A_83, %dma_wait3A_84] : memref<32x79x128xi32, #tpu.memory_space<hbm>> -> memref<1x79x128xi32, #tpu.memory_space<hbm>>
      %dma_wait3A_86 = tpu.memref_squeeze %dma_wait3A_85 : memref<1x79x128xi32, #tpu.memory_space<hbm>> -> memref<79x128xi32, #tpu.memory_space<hbm>>
      tpu.wait_dma2 semaphore(%run_scoped3A : memref<!tpu.dma_semaphore, #tpu.memory_space<semaphore_mem>>) src(%dma_wait3A_86 : memref<79x128xi32, #tpu.memory_space<hbm>>) dst(%arg6 : memref<79x128xi32, #tpu.memory_space<vmem>>)
      tpu.yield
    }) : () -> ()
    "tpu.region"() ({
      %run_scoped3A = tpu.sem_alloc : memref<!tpu.dma_semaphore, #tpu.memory_space<semaphore_mem>>
      %dma_start3A = arith.constant 0 : i32
      %dma_start3A_73 = arith.constant 0 : i32
      %dma_start3A_74 = tpu.memref_slice %arg4[%add3A, %dma_start3A, %dma_start3A_73] : memref<32x79x128xi32, #tpu.memory_space<hbm>> -> memref<1x79x128xi32, #tpu.memory_space<hbm>>
      %dma_start3A_75 = tpu.memref_squeeze %dma_start3A_74 : memref<1x79x128xi32, #tpu.memory_space<hbm>> -> memref<79x128xi32, #tpu.memory_space<hbm>>
      %dma_start3A_76 = arith.constant 0 : i32
      %dma_start3A_77 = arith.constant 0 : i32
      %dma_start3A_78 = tpu.memref_slice %arg4[%add3A, %dma_start3A_76, %dma_start3A_77] : memref<32x79x128xi32, #tpu.memory_space<hbm>> -> memref<1x79x128xi32, #tpu.memory_space<hbm>>
      %dma_start3A_79 = tpu.memref_squeeze %dma_start3A_78 : memref<1x79x128xi32, #tpu.memory_space<hbm>> -> memref<79x128xi32, #tpu.memory_space<hbm>>
      tpu.enqueue_dma source(%dma_start3A_79 : memref<79x128xi32, #tpu.memory_space<hbm>>) target(%arg7 : memref<79x128xi32, #tpu.memory_space<vmem>>) target_semaphore(%run_scoped3A : memref<!tpu.dma_semaphore, #tpu.memory_space<semaphore_mem>>)
      %dma_wait3A = arith.constant 0 : i32
      %dma_wait3A_80 = arith.constant 0 : i32
      %dma_wait3A_81 = tpu.memref_slice %arg4[%add3A, %dma_wait3A, %dma_wait3A_80] : memref<32x79x128xi32, #tpu.memory_space<hbm>> -> memref<1x79x128xi32, #tpu.memory_space<hbm>>
      %dma_wait3A_82 = tpu.memref_squeeze %dma_wait3A_81 : memref<1x79x128xi32, #tpu.memory_space<hbm>> -> memref<79x128xi32, #tpu.memory_space<hbm>>
      %dma_wait3A_83 = arith.constant 0 : i32
      %dma_wait3A_84 = arith.constant 0 : i32
      %dma_wait3A_85 = tpu.memref_slice %arg4[%add3A, %dma_wait3A_83, %dma_wait3A_84] : memref<32x79x128xi32, #tpu.memory_space<hbm>> -> memref<1x79x128xi32, #tpu.memory_space<hbm>>
      %dma_wait3A_86 = tpu.memref_squeeze %dma_wait3A_85 : memref<1x79x128xi32, #tpu.memory_space<hbm>> -> memref<79x128xi32, #tpu.memory_space<hbm>>
      tpu.wait_dma2 semaphore(%run_scoped3A : memref<!tpu.dma_semaphore, #tpu.memory_space<semaphore_mem>>) src(%dma_wait3A_86 : memref<79x128xi32, #tpu.memory_space<hbm>>) dst(%arg7 : memref<79x128xi32, #tpu.memory_space<vmem>>)
      tpu.yield
    }) : () -> ()
    %barrier3A = arith.constant 0 : index
    tpu.barrier barrier_id(%barrier3A)
    %scan3A_26 = arith.constant 0 : i32
    %scan3A_27 = arith.constant 0 : i32
    %scan3A_28 = arith.constant 79 : i32
    %scan3A_29 = arith.addi %scan3A_27, %scan3A_28 : i32
    %scan3A_30 = arith.constant 1 : i32
    scf.for %scan3A_73 = %scan3A_27 to %scan3A_29 step %scan3A_30  : i32 {
      %dma_start3A = arith.constant 0 : i32
      %dma_start3A_74 = tpu.memref_slice %arg6[%scan3A_73, %dma_start3A] : memref<79x128xi32, #tpu.memory_space<vmem>> -> memref<1x128xi32, #tpu.memory_space<vmem>>
      %dma_start3A_75 = tpu.memref_squeeze %dma_start3A_74 : memref<1x128xi32, #tpu.memory_space<vmem>> -> memref<128xi32, #tpu.memory_space<vmem>>
      %dma_start3A_76 = arith.constant 0 : i32
      %dma_start3A_77 = arith.constant 0 : i32
      %dma_start3A_78 = tpu.memref_slice %arg2[%dma_start3A_76, %dma_start3A_77] : memref<10000x128xf32, #tpu.memory_space<hbm>> -> memref<10000x128xf32, #tpu.memory_space<hbm>>
      tpu.enqueue_indirect_dma source(%dma_start3A_78 : memref<10000x128xf32, #tpu.memory_space<hbm>>) target(%arg8 : memref<128x128xf32, #tpu.memory_space<vmem>>) offsets(%dma_start3A_75 : memref<128xi32, #tpu.memory_space<vmem>>) semaphore(%arg10 : memref<!tpu.dma_semaphore, #tpu.memory_space<semaphore_mem>>)
      %dma_wait3A = arith.constant 0 : i32
      %dma_wait3A_79 = tpu.memref_slice %arg6[%scan3A_73, %dma_wait3A] : memref<79x128xi32, #tpu.memory_space<vmem>> -> memref<1x128xi32, #tpu.memory_space<vmem>>
      %dma_wait3A_80 = tpu.memref_squeeze %dma_wait3A_79 : memref<1x128xi32, #tpu.memory_space<vmem>> -> memref<128xi32, #tpu.memory_space<vmem>>
      %dma_wait3A_81 = arith.constant 0 : i32
      %dma_wait3A_82 = arith.constant 0 : i32
      %dma_wait3A_83 = tpu.memref_slice %arg2[%dma_wait3A_81, %dma_wait3A_82] : memref<10000x128xf32, #tpu.memory_space<hbm>> -> memref<10000x128xf32, #tpu.memory_space<hbm>>
      tpu.wait_indirect_dma semaphore(%arg10 : memref<!tpu.dma_semaphore, #tpu.memory_space<semaphore_mem>>) src(%dma_wait3A_83 : memref<10000x128xf32, #tpu.memory_space<hbm>>) dst(%arg8 : memref<128x128xf32, #tpu.memory_space<vmem>>)
      "tpu.region"() ({
        %run_scoped3A = tpu.sem_alloc : memref<!tpu.dma_semaphore, #tpu.memory_space<semaphore_mem>>
        %dma_start3A_84 = arith.constant 0 : i32
        %dma_start3A_85 = tpu.memref_slice %arg7[%scan3A_73, %dma_start3A_84] : memref<79x128xi32, #tpu.memory_space<vmem>> -> memref<1x128xi32, #tpu.memory_space<vmem>>
        %dma_start3A_86 = tpu.memref_squeeze %dma_start3A_85 : memref<1x128xi32, #tpu.memory_space<vmem>> -> memref<128xi32, #tpu.memory_space<vmem>>
        %dma_start3A_87 = arith.constant 0 : i32
        %dma_start3A_88 = arith.constant 0 : i32
        %dma_start3A_89 = tpu.memref_slice %arg9[%dma_start3A_87, %dma_start3A_88] : memref<10240x128xf32, #tpu.memory_space<vmem_shared>> -> memref<10240x128xf32, #tpu.memory_space<vmem_shared>>
        tpu.enqueue_indirect_dma source(%arg8 : memref<128x128xf32, #tpu.memory_space<vmem>>) target(%dma_start3A_89 : memref<10240x128xf32, #tpu.memory_space<vmem_shared>>) offsets(%dma_start3A_86 : memref<128xi32, #tpu.memory_space<vmem>>) semaphore(%run_scoped3A : memref<!tpu.dma_semaphore, #tpu.memory_space<semaphore_mem>>) {add = true}
        %dma_wait3A_90 = arith.constant 0 : i32
        %dma_wait3A_91 = tpu.memref_slice %arg7[%scan3A_73, %dma_wait3A_90] : memref<79x128xi32, #tpu.memory_space<vmem>> -> memref<1x128xi32, #tpu.memory_space<vmem>>
        %dma_wait3A_92 = tpu.memref_squeeze %dma_wait3A_91 : memref<1x128xi32, #tpu.memory_space<vmem>> -> memref<128xi32, #tpu.memory_space<vmem>>
        %dma_wait3A_93 = arith.constant 0 : i32
        %dma_wait3A_94 = arith.constant 0 : i32
        %dma_wait3A_95 = tpu.memref_slice %arg9[%dma_wait3A_93, %dma_wait3A_94] : memref<10240x128xf32, #tpu.memory_space<vmem_shared>> -> memref<10240x128xf32, #tpu.memory_space<vmem_shared>>
        tpu.wait_indirect_dma semaphore(%run_scoped3A : memref<!tpu.dma_semaphore, #tpu.memory_space<semaphore_mem>>) src(%arg8 : memref<128x128xf32, #tpu.memory_space<vmem>>) dst(%dma_wait3A_95 : memref<10240x128xf32, #tpu.memory_space<vmem_shared>>)
        tpu.yield
      }) : () -> ()
    }
    %scan3A_31 = arith.constant 79 : i32
    %barrier3A_32 = arith.constant 0 : index
    tpu.barrier barrier_id(%barrier3A_32)
    %mul3A_33 = arith.constant 640 : i32
    %mul3A_34 = arith.muli %arg1, %mul3A_33 : i32
    %add3A_35 = arith.constant 0 : i32
    %add3A_36 = arith.addi %mul3A_34, %add3A_35 : i32
    %mul3A_37 = arith.constant 640 : i32
    %mul3A_38 = arith.muli %arg1, %mul3A_37 : i32
    %add3A_39 = arith.constant 0 : i32
    %add3A_40 = arith.addi %mul3A_38, %add3A_39 : i32
    "tpu.region"() ({
      %run_scoped3A = tpu.sem_alloc : memref<!tpu.dma_semaphore, #tpu.memory_space<semaphore_mem>>
      %dma_start3A = arith.constant 0 : i32
      %dma_start3A_73 = tpu.memref_slice %arg5[%arg0, %add3A_40, %dma_start3A] : memref<2x10240x128xf32, #tpu.memory_space<hbm>> -> memref<1x128x128xf32, #tpu.memory_space<hbm>>
      %dma_start3A_74 = tpu.memref_squeeze %dma_start3A_73 : memref<1x128x128xf32, #tpu.memory_space<hbm>> -> memref<128x128xf32, #tpu.memory_space<hbm>>
      %dma_start3A_75 = arith.constant 0 : i32
      %dma_start3A_76 = tpu.memref_slice %arg9[%add3A_36, %dma_start3A_75] : memref<10240x128xf32, #tpu.memory_space<vmem_shared>> -> memref<128x128xf32, #tpu.memory_space<vmem_shared>>
      tpu.enqueue_dma source(%dma_start3A_76 : memref<128x128xf32, #tpu.memory_space<vmem_shared>>) target(%dma_start3A_74 : memref<128x128xf32, #tpu.memory_space<hbm>>) target_semaphore(%run_scoped3A : memref<!tpu.dma_semaphore, #tpu.memory_space<semaphore_mem>>)
      %dma_wait3A = arith.constant 0 : i32
      %dma_wait3A_77 = tpu.memref_slice %arg5[%arg0, %add3A_40, %dma_wait3A] : memref<2x10240x128xf32, #tpu.memory_space<hbm>> -> memref<1x128x128xf32, #tpu.memory_space<hbm>>
      %dma_wait3A_78 = tpu.memref_squeeze %dma_wait3A_77 : memref<1x128x128xf32, #tpu.memory_space<hbm>> -> memref<128x128xf32, #tpu.memory_space<hbm>>
      %dma_wait3A_79 = arith.constant 0 : i32
      %dma_wait3A_80 = tpu.memref_slice %arg9[%add3A_36, %dma_wait3A_79] : memref<10240x128xf32, #tpu.memory_space<vmem_shared>> -> memref<128x128xf32, #tpu.memory_space<vmem_shared>>
      tpu.wait_dma2 semaphore(%run_scoped3A : memref<!tpu.dma_semaphore, #tpu.memory_space<semaphore_mem>>) src(%dma_wait3A_80 : memref<128x128xf32, #tpu.memory_space<vmem_shared>>) dst(%dma_wait3A_78 : memref<128x128xf32, #tpu.memory_space<hbm>>)
      tpu.yield
    }) : () -> ()
    %mul3A_41 = arith.constant 640 : i32
    %mul3A_42 = arith.muli %arg1, %mul3A_41 : i32
    %add3A_43 = arith.constant 128 : i32
    %add3A_44 = arith.addi %mul3A_42, %add3A_43 : i32
    %mul3A_45 = arith.constant 640 : i32
    %mul3A_46 = arith.muli %arg1, %mul3A_45 : i32
    %add3A_47 = arith.constant 128 : i32
    %add3A_48 = arith.addi %mul3A_46, %add3A_47 : i32
    "tpu.region"() ({
      %run_scoped3A = tpu.sem_alloc : memref<!tpu.dma_semaphore, #tpu.memory_space<semaphore_mem>>
      %dma_start3A = arith.constant 0 : i32
      %dma_start3A_73 = tpu.memref_slice %arg5[%arg0, %add3A_48, %dma_start3A] : memref<2x10240x128xf32, #tpu.memory_space<hbm>> -> memref<1x128x128xf32, #tpu.memory_space<hbm>>
      %dma_start3A_74 = tpu.memref_squeeze %dma_start3A_73 : memref<1x128x128xf32, #tpu.memory_space<hbm>> -> memref<128x128xf32, #tpu.memory_space<hbm>>
      %dma_start3A_75 = arith.constant 0 : i32
      %dma_start3A_76 = tpu.memref_slice %arg9[%add3A_44, %dma_start3A_75] : memref<10240x128xf32, #tpu.memory_space<vmem_shared>> -> memref<128x128xf32, #tpu.memory_space<vmem_shared>>
      tpu.enqueue_dma source(%dma_start3A_76 : memref<128x128xf32, #tpu.memory_space<vmem_shared>>) target(%dma_start3A_74 : memref<128x128xf32, #tpu.memory_space<hbm>>) target_semaphore(%run_scoped3A : memref<!tpu.dma_semaphore, #tpu.memory_space<semaphore_mem>>)
      %dma_wait3A = arith.constant 0 : i32
      %dma_wait3A_77 = tpu.memref_slice %arg5[%arg0, %add3A_48, %dma_wait3A] : memref<2x10240x128xf32, #tpu.memory_space<hbm>> -> memref<1x128x128xf32, #tpu.memory_space<hbm>>
      %dma_wait3A_78 = tpu.memref_squeeze %dma_wait3A_77 : memref<1x128x128xf32, #tpu.memory_space<hbm>> -> memref<128x128xf32, #tpu.memory_space<hbm>>
      %dma_wait3A_79 = arith.constant 0 : i32
      %dma_wait3A_80 = tpu.memref_slice %arg9[%add3A_44, %dma_wait3A_79] : memref<10240x128xf32, #tpu.memory_space<vmem_shared>> -> memref<128x128xf32, #tpu.memory_space<vmem_shared>>
      tpu.wait_dma2 semaphore(%run_scoped3A : memref<!tpu.dma_semaphore, #tpu.memory_space<semaphore_mem>>) src(%dma_wait3A_80 : memref<128x128xf32, #tpu.memory_space<vmem_shared>>) dst(%dma_wait3A_78 : memref<128x128xf32, #tpu.memory_space<hbm>>)
      tpu.yield
    }) : () -> ()
    %mul3A_49 = arith.constant 640 : i32
    %mul3A_50 = arith.muli %arg1, %mul3A_49 : i32
    %add3A_51 = arith.constant 256 : i32
    %add3A_52 = arith.addi %mul3A_50, %add3A_51 : i32
    %mul3A_53 = arith.constant 640 : i32
    %mul3A_54 = arith.muli %arg1, %mul3A_53 : i32
    %add3A_55 = arith.constant 256 : i32
    %add3A_56 = arith.addi %mul3A_54, %add3A_55 : i32
    "tpu.region"() ({
      %run_scoped3A = tpu.sem_alloc : memref<!tpu.dma_semaphore, #tpu.memory_space<semaphore_mem>>
      %dma_start3A = arith.constant 0 : i32
      %dma_start3A_73 = tpu.memref_slice %arg5[%arg0, %add3A_56, %dma_start3A] : memref<2x10240x128xf32, #tpu.memory_space<hbm>> -> memref<1x128x128xf32, #tpu.memory_space<hbm>>
      %dma_start3A_74 = tpu.memref_squeeze %dma_start3A_73 : memref<1x128x128xf32, #tpu.memory_space<hbm>> -> memref<128x128xf32, #tpu.memory_space<hbm>>
      %dma_start3A_75 = arith.constant 0 : i32
      %dma_start3A_76 = tpu.memref_slice %arg9[%add3A_52, %dma_start3A_75] : memref<10240x128xf32, #tpu.memory_space<vmem_shared>> -> memref<128x128xf32, #tpu.memory_space<vmem_shared>>
      tpu.enqueue_dma source(%dma_start3A_76 : memref<128x128xf32, #tpu.memory_space<vmem_shared>>) target(%dma_start3A_74 : memref<128x128xf32, #tpu.memory_space<hbm>>) target_semaphore(%run_scoped3A : memref<!tpu.dma_semaphore, #tpu.memory_space<semaphore_mem>>)
      %dma_wait3A = arith.constant 0 : i32
      %dma_wait3A_77 = tpu.memref_slice %arg5[%arg0, %add3A_56, %dma_wait3A] : memref<2x10240x128xf32, #tpu.memory_space<hbm>> -> memref<1x128x128xf32, #tpu.memory_space<hbm>>
      %dma_wait3A_78 = tpu.memref_squeeze %dma_wait3A_77 : memref<1x128x128xf32, #tpu.memory_space<hbm>> -> memref<128x128xf32, #tpu.memory_space<hbm>>
      %dma_wait3A_79 = arith.constant 0 : i32
      %dma_wait3A_80 = tpu.memref_slice %arg9[%add3A_52, %dma_wait3A_79] : memref<10240x128xf32, #tpu.memory_space<vmem_shared>> -> memref<128x128xf32, #tpu.memory_space<vmem_shared>>
      tpu.wait_dma2 semaphore(%run_scoped3A : memref<!tpu.dma_semaphore, #tpu.memory_space<semaphore_mem>>) src(%dma_wait3A_80 : memref<128x128xf32, #tpu.memory_space<vmem_shared>>) dst(%dma_wait3A_78 : memref<128x128xf32, #tpu.memory_space<hbm>>)
      tpu.yield
    }) : () -> ()
    %mul3A_57 = arith.constant 640 : i32
    %mul3A_58 = arith.muli %arg1, %mul3A_57 : i32
    %add3A_59 = arith.constant 384 : i32
    %add3A_60 = arith.addi %mul3A_58, %add3A_59 : i32
    %mul3A_61 = arith.constant 640 : i32
    %mul3A_62 = arith.muli %arg1, %mul3A_61 : i32
    %add3A_63 = arith.constant 384 : i32
    %add3A_64 = arith.addi %mul3A_62, %add3A_63 : i32
    "tpu.region"() ({
      %run_scoped3A = tpu.sem_alloc : memref<!tpu.dma_semaphore, #tpu.memory_space<semaphore_mem>>
      %dma_start3A = arith.constant 0 : i32
      %dma_start3A_73 = tpu.memref_slice %arg5[%arg0, %add3A_64, %dma_start3A] : memref<2x10240x128xf32, #tpu.memory_space<hbm>> -> memref<1x128x128xf32, #tpu.memory_space<hbm>>
      %dma_start3A_74 = tpu.memref_squeeze %dma_start3A_73 : memref<1x128x128xf32, #tpu.memory_space<hbm>> -> memref<128x128xf32, #tpu.memory_space<hbm>>
      %dma_start3A_75 = arith.constant 0 : i32
      %dma_start3A_76 = tpu.memref_slice %arg9[%add3A_60, %dma_start3A_75] : memref<10240x128xf32, #tpu.memory_space<vmem_shared>> -> memref<128x128xf32, #tpu.memory_space<vmem_shared>>
      tpu.enqueue_dma source(%dma_start3A_76 : memref<128x128xf32, #tpu.memory_space<vmem_shared>>) target(%dma_start3A_74 : memref<128x128xf32, #tpu.memory_space<hbm>>) target_semaphore(%run_scoped3A : memref<!tpu.dma_semaphore, #tpu.memory_space<semaphore_mem>>)
      %dma_wait3A = arith.constant 0 : i32
      %dma_wait3A_77 = tpu.memref_slice %arg5[%arg0, %add3A_64, %dma_wait3A] : memref<2x10240x128xf32, #tpu.memory_space<hbm>> -> memref<1x128x128xf32, #tpu.memory_space<hbm>>
      %dma_wait3A_78 = tpu.memref_squeeze %dma_wait3A_77 : memref<1x128x128xf32, #tpu.memory_space<hbm>> -> memref<128x128xf32, #tpu.memory_space<hbm>>
      %dma_wait3A_79 = arith.constant 0 : i32
      %dma_wait3A_80 = tpu.memref_slice %arg9[%add3A_60, %dma_wait3A_79] : memref<10240x128xf32, #tpu.memory_space<vmem_shared>> -> memref<128x128xf32, #tpu.memory_space<vmem_shared>>
      tpu.wait_dma2 semaphore(%run_scoped3A : memref<!tpu.dma_semaphore, #tpu.memory_space<semaphore_mem>>) src(%dma_wait3A_80 : memref<128x128xf32, #tpu.memory_space<vmem_shared>>) dst(%dma_wait3A_78 : memref<128x128xf32, #tpu.memory_space<hbm>>)
      tpu.yield
    }) : () -> ()
    %mul3A_65 = arith.constant 640 : i32
    %mul3A_66 = arith.muli %arg1, %mul3A_65 : i32
    %add3A_67 = arith.constant 512 : i32
    %add3A_68 = arith.addi %mul3A_66, %add3A_67 : i32
    %mul3A_69 = arith.constant 640 : i32
    %mul3A_70 = arith.muli %arg1, %mul3A_69 : i32
    %add3A_71 = arith.constant 512 : i32
    %add3A_72 = arith.addi %mul3A_70, %add3A_71 : i32
    "tpu.region"() ({
      %run_scoped3A = tpu.sem_alloc : memref<!tpu.dma_semaphore, #tpu.memory_space<semaphore_mem>>
      %dma_start3A = arith.constant 0 : i32
      %dma_start3A_73 = tpu.memref_slice %arg5[%arg0, %add3A_72, %dma_start3A] : memref<2x10240x128xf32, #tpu.memory_space<hbm>> -> memref<1x128x128xf32, #tpu.memory_space<hbm>>
      %dma_start3A_74 = tpu.memref_squeeze %dma_start3A_73 : memref<1x128x128xf32, #tpu.memory_space<hbm>> -> memref<128x128xf32, #tpu.memory_space<hbm>>
      %dma_start3A_75 = arith.constant 0 : i32
      %dma_start3A_76 = tpu.memref_slice %arg9[%add3A_68, %dma_start3A_75] : memref<10240x128xf32, #tpu.memory_space<vmem_shared>> -> memref<128x128xf32, #tpu.memory_space<vmem_shared>>
      tpu.enqueue_dma source(%dma_start3A_76 : memref<128x128xf32, #tpu.memory_space<vmem_shared>>) target(%dma_start3A_74 : memref<128x128xf32, #tpu.memory_space<hbm>>) target_semaphore(%run_scoped3A : memref<!tpu.dma_semaphore, #tpu.memory_space<semaphore_mem>>)
      %dma_wait3A = arith.constant 0 : i32
      %dma_wait3A_77 = tpu.memref_slice %arg5[%arg0, %add3A_72, %dma_wait3A] : memref<2x10240x128xf32, #tpu.memory_space<hbm>> -> memref<1x128x128xf32, #tpu.memory_space<hbm>>
      %dma_wait3A_78 = tpu.memref_squeeze %dma_wait3A_77 : memref<1x128x128xf32, #tpu.memory_space<hbm>> -> memref<128x128xf32, #tpu.memory_space<hbm>>
      %dma_wait3A_79 = arith.constant 0 : i32
      %dma_wait3A_80 = tpu.memref_slice %arg9[%add3A_68, %dma_wait3A_79] : memref<10240x128xf32, #tpu.memory_space<vmem_shared>> -> memref<128x128xf32, #tpu.memory_space<vmem_shared>>
      tpu.wait_dma2 semaphore(%run_scoped3A : memref<!tpu.dma_semaphore, #tpu.memory_space<semaphore_mem>>) src(%dma_wait3A_80 : memref<128x128xf32, #tpu.memory_space<vmem_shared>>) dst(%dma_wait3A_78 : memref<128x128xf32, #tpu.memory_space<hbm>>)
      tpu.yield
    }) : () -> ()
    return
  }
}

module attributes {stable_mosaic.version = 14 : i64} {
  func.func @body(%arg0: i32, %arg1: memref<1000x128xf32, #tpu.memory_space<vmem>>, %arg2: memref<128x128xf32, #tpu.memory_space<vmem>>, %arg3: memref<1000x2xf32, #tpu.memory_space<vmem>>, %arg4: memref<1000x128xf32, #tpu.memory_space<vmem>>) attributes {dimension_semantics = [#tpu.dimension_semantics<arbitrary>], iteration_bounds = array<i64: 10>, scalar_prefetch = 0 : i64, scratch_operands = 0 : i64, tpu.core_type = #tpu.core_type<tc>, window_params = [{transform_indices = @transform_0, window_bounds = array<i64: 1000, 128>}, {pipeline_mode = #tpu.pipeline_mode<synchronous>, transform_indices = @transform_1, window_bounds = array<i64: 128, 128>}, {transform_indices = @transform_2, window_bounds = array<i64: 1000, 2>}, {transform_indices = @transform_3, window_bounds = array<i64: 1000, 128>}]} {
    %get3A = arith.constant 0 : index
    %get3A_0 = arith.constant 0 : index
    %get3A_1 = vector.load %arg3[%get3A, %get3A_0] : memref<1000x2xf32, #tpu.memory_space<vmem>>, vector<1000x2xf32>
    %slice3A = vector.extract_strided_slice %get3A_1 {offsets = [0, 0], sizes = [1000, 1], strides = [1, 1]} : vector<1000x2xf32> to vector<1000x1xf32>
    %slice3A_2 = vector.extract_strided_slice %get3A_1 {offsets = [0, 1], sizes = [1000, 1], strides = [1, 1]} : vector<1000x2xf32> to vector<1000x1xf32>
    %add3A = arith.addf %slice3A, %slice3A_2 : vector<1000x1xf32>
    %add3A_3 = arith.constant 1.000000e+00 : f32
    %add3A_4 = vector.broadcast %add3A_3 : f32 to vector<1000x1xf32>
    %add3A_5 = arith.addf %add3A, %add3A_4 : vector<1000x1xf32>
    %rsqrt3A = math.rsqrt %add3A_5 : vector<1000x1xf32>
    %get3A_6 = arith.constant 0 : index
    %get3A_7 = arith.constant 0 : index
    %get3A_8 = vector.load %arg1[%get3A_6, %get3A_7] : memref<1000x128xf32, #tpu.memory_space<vmem>>, vector<1000x128xf32>
    %get3A_9 = arith.constant 0 : index
    %get3A_10 = arith.constant 0 : index
    %get3A_11 = vector.load %arg2[%get3A_9, %get3A_10] : memref<128x128xf32, #tpu.memory_space<vmem>>, vector<128x128xf32>
    %dot_general3A = arith.constant dense<0.000000e+00> : vector<1000x128xf32>
    %dot_general3A_12 = tpu.matmul %get3A_8, %get3A_11, %dot_general3A {dimension_numbers = #tpu.dot_dimension_numbers<[1], [0], [0], [1], [0, 0, 1, 1], [], []>, transpose_lhs_hint = false} : vector<1000x128xf32>, vector<128x128xf32>, vector<1000x128xf32> -> vector<1000x128xf32>
    %mul3A = vector.broadcast %rsqrt3A : vector<1000x1xf32> to vector<1000x128xf32>
    %mul3A_13 = arith.mulf %mul3A, %dot_general3A_12 : vector<1000x128xf32>
    %swap3A = arith.constant 0 : index
    %swap3A_14 = arith.constant 0 : index
    %swap3A_15 = vector.load %arg4[%swap3A, %swap3A_14] : memref<1000x128xf32, #tpu.memory_space<vmem>>, vector<1000x128xf32>
    tpu.vector_store %arg4[%swap3A, %swap3A_14], %mul3A_13 {strides = array<i32>} : memref<1000x128xf32, #tpu.memory_space<vmem>>, vector<1000x128xf32>,
    return
  }
  func.func @transform_0(%arg0: i32) -> (i32, i32) {
    %c0_i32 = arith.constant 0 : i32
    %c0_i32_0 = arith.constant 0 : i32
    return %arg0, %c0_i32 : i32, i32
  }
  func.func @transform_1(%arg0: i32) -> (i32, i32) {
    %c0_i32 = arith.constant 0 : i32
    %c0_i32_0 = arith.constant 0 : i32
    %c0_i32_1 = arith.constant 0 : i32
    return %c0_i32, %c0_i32_0 : i32, i32
  }
  func.func @transform_2(%arg0: i32) -> (i32, i32) {
    %c0_i32 = arith.constant 0 : i32
    %c0_i32_0 = arith.constant 0 : i32
    return %arg0, %c0_i32 : i32, i32
  }
  func.func @transform_3(%arg0: i32) -> (i32, i32) {
    %c0_i32 = arith.constant 0 : i32
    %c0_i32_0 = arith.constant 0 : i32
    return %arg0, %c0_i32 : i32, i32
  }
}

module attributes {stable_mosaic.version = 14 : i64} {
  func.func @body(%arg0: i32, %arg1: memref<2x1000x128xf32, #tpu.memory_space<vmem>>, %arg2: memref<1000x128xf32, #tpu.memory_space<vmem>>, %arg3: memref<1000x2xf32, #tpu.memory_space<vmem>>, %arg4: memref<1x128xf32, #tpu.memory_space<vmem>>, %arg5: memref<1000x128xf32, #tpu.memory_space<vmem>>) attributes {dimension_semantics = [#tpu.dimension_semantics<arbitrary>], iteration_bounds = array<i64: 10>, scalar_prefetch = 0 : i64, scratch_operands = 0 : i64, tpu.core_type = #tpu.core_type<tc>, window_params = [{transform_indices = @transform_0, window_bounds = array<i64: 2, 1000, 128>}, {transform_indices = @transform_1, window_bounds = array<i64: 1000, 128>}, {transform_indices = @transform_2, window_bounds = array<i64: 1000, 2>}, {pipeline_mode = #tpu.pipeline_mode<synchronous>, transform_indices = @transform_3, window_bounds = array<i64: 1, 128>}, {transform_indices = @transform_4, window_bounds = array<i64: 1000, 128>}]} {
    %get3A = arith.constant 0 : index
    %get3A_0 = arith.constant 0 : index
    %get3A_1 = vector.load %arg3[%get3A, %get3A_0] : memref<1000x2xf32, #tpu.memory_space<vmem>>, vector<1000x2xf32>
    %slice3A = vector.extract_strided_slice %get3A_1 {offsets = [0, 0], sizes = [1000, 1], strides = [1, 1]} : vector<1000x2xf32> to vector<1000x1xf32>
    %slice3A_2 = vector.extract_strided_slice %get3A_1 {offsets = [0, 1], sizes = [1000, 1], strides = [1, 1]} : vector<1000x2xf32> to vector<1000x1xf32>
    %add3A = arith.addf %slice3A, %slice3A_2 : vector<1000x1xf32>
    %add3A_3 = arith.constant 1.000000e+00 : f32
    %add3A_4 = vector.broadcast %add3A_3 : f32 to vector<1000x1xf32>
    %add3A_5 = arith.addf %add3A, %add3A_4 : vector<1000x1xf32>
    %rsqrt3A = math.rsqrt %add3A_5 : vector<1000x1xf32>
    %get3A_6 = arith.constant 0 : index
    %get3A_7 = arith.constant 0 : index
    %get3A_8 = arith.constant 0 : index
    %get3A_9 = vector.load %arg1[%get3A_6, %get3A_7, %get3A_8] : memref<2x1000x128xf32, #tpu.memory_space<vmem>>, vector<1x1000x128xf32>
    %get3A_10 = vector.shape_cast %get3A_9 : vector<1x1000x128xf32> to vector<1000x128xf32>
    %get3A_11 = arith.constant 1 : index
    %get3A_12 = arith.constant 0 : index
    %get3A_13 = arith.constant 0 : index
    %get3A_14 = vector.load %arg1[%get3A_11, %get3A_12, %get3A_13] : memref<2x1000x128xf32, #tpu.memory_space<vmem>>, vector<1x1000x128xf32>
    %get3A_15 = vector.shape_cast %get3A_14 : vector<1x1000x128xf32> to vector<1000x128xf32>
    %add3A_16 = arith.addf %get3A_10, %get3A_15 : vector<1000x128xf32>
    %get3A_17 = arith.constant 0 : index
    %get3A_18 = arith.constant 0 : index
    %get3A_19 = vector.load %arg2[%get3A_17, %get3A_18] : memref<1000x128xf32, #tpu.memory_space<vmem>>, vector<1000x128xf32>
    %add3A_20 = arith.addf %add3A_16, %get3A_19 : vector<1000x128xf32>
    %mul3A = vector.broadcast %rsqrt3A : vector<1000x1xf32> to vector<1000x128xf32>
    %mul3A_21 = arith.mulf %mul3A, %add3A_20 : vector<1000x128xf32>
    %get3A_22 = arith.constant 0 : index
    %get3A_23 = arith.constant 0 : index
    %get3A_24 = vector.load %arg4[%get3A_22, %get3A_23] : memref<1x128xf32, #tpu.memory_space<vmem>>, vector<1x128xf32>
    %add3A_25 = vector.broadcast %get3A_24 : vector<1x128xf32> to vector<1000x128xf32>
    %add3A_26 = arith.addf %mul3A_21, %add3A_25 : vector<1000x128xf32>
    %max3A = arith.constant 0.000000e+00 : f32
    %max3A_27 = vector.broadcast %max3A : f32 to vector<1000x128xf32>
    %max3A_28 = arith.maximumf %add3A_26, %max3A_27 : vector<1000x128xf32>
    %mul3A_29 = vector.broadcast %rsqrt3A : vector<1000x1xf32> to vector<1000x128xf32>
    %mul3A_30 = arith.mulf %mul3A_29, %max3A_28 : vector<1000x128xf32>
    %swap3A = arith.constant 0 : index
    %swap3A_31 = arith.constant 0 : index
    %swap3A_32 = vector.load %arg5[%swap3A, %swap3A_31] : memref<1000x128xf32, #tpu.memory_space<vmem>>, vector<1000x128xf32>
    tpu.vector_store %arg5[%swap3A, %swap3A_31], %mul3A_30 {strides = array<i32>} : memref<1000x128xf32, #tpu.memory_space<vmem>>, vector<1000x128xf32>,
    return
  }
  func.func @transform_0(%arg0: i32) -> (i32, i32, i32) {
    %c0_i32 = arith.constant 0 : i32
    %c0_i32_0 = arith.constant 0 : i32
    %c0_i32_1 = arith.constant 0 : i32
    return %c0_i32, %arg0, %c0_i32_0 : i32, i32, i32
  }
  func.func @transform_1(%arg0: i32) -> (i32, i32) {
    %c0_i32 = arith.constant 0 : i32
    %c0_i32_0 = arith.constant 0 : i32
    return %arg0, %c0_i32 : i32, i32
  }
  func.func @transform_2(%arg0: i32) -> (i32, i32) {
    %c0_i32 = arith.constant 0 : i32
    %c0_i32_0 = arith.constant 0 : i32
    return %arg0, %c0_i32 : i32, i32
  }
  func.func @transform_3(%arg0: i32) -> (i32, i32) {
    %c0_i32 = arith.constant 0 : i32
    %c0_i32_0 = arith.constant 0 : i32
    %c0_i32_1 = arith.constant 0 : i32
    return %c0_i32, %c0_i32_0 : i32, i32
  }
  func.func @transform_4(%arg0: i32) -> (i32, i32) {
    %c0_i32 = arith.constant 0 : i32
    %c0_i32_0 = arith.constant 0 : i32
    return %arg0, %c0_i32 : i32, i32
  }
}

module attributes {stable_mosaic.version = 14 : i64} {
  func.func @body(%arg0: i32, %arg1: memref<2x1000x128xf32, #tpu.memory_space<vmem>>, %arg2: memref<1000x128xf32, #tpu.memory_space<vmem>>, %arg3: memref<1000x2xf32, #tpu.memory_space<vmem>>, %arg4: memref<128x64xf32, #tpu.memory_space<vmem>>, %arg5: memref<1x64xf32, #tpu.memory_space<vmem>>, %arg6: memref<128x64xf32, #tpu.memory_space<vmem>>, %arg7: memref<1x64xf32, #tpu.memory_space<vmem>>, %arg8: memref<1000x64xf32, #tpu.memory_space<vmem>>, %arg9: memref<1000x64xf32, #tpu.memory_space<vmem>>) attributes {dimension_semantics = [#tpu.dimension_semantics<arbitrary>], iteration_bounds = array<i64: 10>, scalar_prefetch = 0 : i64, scratch_operands = 0 : i64, tpu.core_type = #tpu.core_type<tc>, window_params = [{transform_indices = @transform_0, window_bounds = array<i64: 2, 1000, 128>}, {transform_indices = @transform_1, window_bounds = array<i64: 1000, 128>}, {transform_indices = @transform_2, window_bounds = array<i64: 1000, 2>}, {pipeline_mode = #tpu.pipeline_mode<synchronous>, transform_indices = @transform_3, window_bounds = array<i64: 128, 64>}, {pipeline_mode = #tpu.pipeline_mode<synchronous>, transform_indices = @transform_4, window_bounds = array<i64: 1, 64>}, {pipeline_mode = #tpu.pipeline_mode<synchronous>, transform_indices = @transform_5, window_bounds = array<i64: 128, 64>}, {pipeline_mode = #tpu.pipeline_mode<synchronous>, transform_indices = @transform_6, window_bounds = array<i64: 1, 64>}, {transform_indices = @transform_7, window_bounds = array<i64: 1000, 64>}, {transform_indices = @transform_8, window_bounds = array<i64: 1000, 64>}]} {
    %get3A = arith.constant 0 : index
    %get3A_0 = arith.constant 0 : index
    %get3A_1 = vector.load %arg3[%get3A, %get3A_0] : memref<1000x2xf32, #tpu.memory_space<vmem>>, vector<1000x2xf32>
    %slice3A = vector.extract_strided_slice %get3A_1 {offsets = [0, 0], sizes = [1000, 1], strides = [1, 1]} : vector<1000x2xf32> to vector<1000x1xf32>
    %slice3A_2 = vector.extract_strided_slice %get3A_1 {offsets = [0, 1], sizes = [1000, 1], strides = [1, 1]} : vector<1000x2xf32> to vector<1000x1xf32>
    %add3A = arith.addf %slice3A, %slice3A_2 : vector<1000x1xf32>
    %add3A_3 = arith.constant 1.000000e+00 : f32
    %add3A_4 = vector.broadcast %add3A_3 : f32 to vector<1000x1xf32>
    %add3A_5 = arith.addf %add3A, %add3A_4 : vector<1000x1xf32>
    %rsqrt3A = math.rsqrt %add3A_5 : vector<1000x1xf32>
    %get3A_6 = arith.constant 0 : index
    %get3A_7 = arith.constant 0 : index
    %get3A_8 = arith.constant 0 : index
    %get3A_9 = vector.load %arg1[%get3A_6, %get3A_7, %get3A_8] : memref<2x1000x128xf32, #tpu.memory_space<vmem>>, vector<1x1000x128xf32>
    %get3A_10 = vector.shape_cast %get3A_9 : vector<1x1000x128xf32> to vector<1000x128xf32>
    %get3A_11 = arith.constant 1 : index
    %get3A_12 = arith.constant 0 : index
    %get3A_13 = arith.constant 0 : index
    %get3A_14 = vector.load %arg1[%get3A_11, %get3A_12, %get3A_13] : memref<2x1000x128xf32, #tpu.memory_space<vmem>>, vector<1x1000x128xf32>
    %get3A_15 = vector.shape_cast %get3A_14 : vector<1x1000x128xf32> to vector<1000x128xf32>
    %add3A_16 = arith.addf %get3A_10, %get3A_15 : vector<1000x128xf32>
    %get3A_17 = arith.constant 0 : index
    %get3A_18 = arith.constant 0 : index
    %get3A_19 = vector.load %arg2[%get3A_17, %get3A_18] : memref<1000x128xf32, #tpu.memory_space<vmem>>, vector<1000x128xf32>
    %add3A_20 = arith.addf %add3A_16, %get3A_19 : vector<1000x128xf32>
    %mul3A = vector.broadcast %rsqrt3A : vector<1000x1xf32> to vector<1000x128xf32>
    %mul3A_21 = arith.mulf %mul3A, %add3A_20 : vector<1000x128xf32>
    %get3A_22 = arith.constant 0 : index
    %get3A_23 = arith.constant 0 : index
    %get3A_24 = vector.load %arg4[%get3A_22, %get3A_23] : memref<128x64xf32, #tpu.memory_space<vmem>>, vector<128x64xf32>
    %dot_general3A = arith.constant dense<0.000000e+00> : vector<1000x64xf32>
    %dot_general3A_25 = tpu.matmul %mul3A_21, %get3A_24, %dot_general3A {dimension_numbers = #tpu.dot_dimension_numbers<[1], [0], [0], [1], [0, 0, 1, 1], [], []>, transpose_lhs_hint = false} : vector<1000x128xf32>, vector<128x64xf32>, vector<1000x64xf32> -> vector<1000x64xf32>
    %get3A_26 = arith.constant 0 : index
    %get3A_27 = arith.constant 0 : index
    %get3A_28 = vector.load %arg5[%get3A_26, %get3A_27] : memref<1x64xf32, #tpu.memory_space<vmem>>, vector<1x64xf32>
    %add3A_29 = vector.broadcast %get3A_28 : vector<1x64xf32> to vector<1000x64xf32>
    %add3A_30 = arith.addf %dot_general3A_25, %add3A_29 : vector<1000x64xf32>
    %swap3A = arith.constant 0 : index
    %swap3A_31 = arith.constant 0 : index
    %swap3A_32 = vector.load %arg8[%swap3A, %swap3A_31] : memref<1000x64xf32, #tpu.memory_space<vmem>>, vector<1000x64xf32>
    tpu.vector_store %arg8[%swap3A, %swap3A_31], %add3A_30 {strides = array<i32>} : memref<1000x64xf32, #tpu.memory_space<vmem>>, vector<1000x64xf32>,
    %get3A_33 = arith.constant 0 : index
    %get3A_34 = arith.constant 0 : index
    %get3A_35 = vector.load %arg6[%get3A_33, %get3A_34] : memref<128x64xf32, #tpu.memory_space<vmem>>, vector<128x64xf32>
    %dot_general3A_36 = arith.constant dense<0.000000e+00> : vector<1000x64xf32>
    %dot_general3A_37 = tpu.matmul %mul3A_21, %get3A_35, %dot_general3A_36 {dimension_numbers = #tpu.dot_dimension_numbers<[1], [0], [0], [1], [0, 0, 1, 1], [], []>, transpose_lhs_hint = false} : vector<1000x128xf32>, vector<128x64xf32>, vector<1000x64xf32> -> vector<1000x64xf32>
    %get3A_38 = arith.constant 0 : index
    %get3A_39 = arith.constant 0 : index
    %get3A_40 = vector.load %arg7[%get3A_38, %get3A_39] : memref<1x64xf32, #tpu.memory_space<vmem>>, vector<1x64xf32>
    %add3A_41 = vector.broadcast %get3A_40 : vector<1x64xf32> to vector<1000x64xf32>
    %add3A_42 = arith.addf %dot_general3A_37, %add3A_41 : vector<1000x64xf32>
    %swap3A_43 = arith.constant 0 : index
    %swap3A_44 = arith.constant 0 : index
    %swap3A_45 = vector.load %arg9[%swap3A_43, %swap3A_44] : memref<1000x64xf32, #tpu.memory_space<vmem>>, vector<1000x64xf32>
    tpu.vector_store %arg9[%swap3A_43, %swap3A_44], %add3A_42 {strides = array<i32>} : memref<1000x64xf32, #tpu.memory_space<vmem>>, vector<1000x64xf32>,
    return
  }
  func.func @transform_0(%arg0: i32) -> (i32, i32, i32) {
    %c0_i32 = arith.constant 0 : i32
    %c0_i32_0 = arith.constant 0 : i32
    %c0_i32_1 = arith.constant 0 : i32
    return %c0_i32, %arg0, %c0_i32_0 : i32, i32, i32
  }
  func.func @transform_1(%arg0: i32) -> (i32, i32) {
    %c0_i32 = arith.constant 0 : i32
    %c0_i32_0 = arith.constant 0 : i32
    return %arg0, %c0_i32 : i32, i32
  }
  func.func @transform_2(%arg0: i32) -> (i32, i32) {
    %c0_i32 = arith.constant 0 : i32
    %c0_i32_0 = arith.constant 0 : i32
    return %arg0, %c0_i32 : i32, i32
  }
  func.func @transform_3(%arg0: i32) -> (i32, i32) {
    %c0_i32 = arith.constant 0 : i32
    %c0_i32_0 = arith.constant 0 : i32
    %c0_i32_1 = arith.constant 0 : i32
    return %c0_i32, %c0_i32_0 : i32, i32
  }
  func.func @transform_4(%arg0: i32) -> (i32, i32) {
    %c0_i32 = arith.constant 0 : i32
    %c0_i32_0 = arith.constant 0 : i32
    %c0_i32_1 = arith.constant 0 : i32
    return %c0_i32, %c0_i32_0 : i32, i32
  }
  func.func @transform_5(%arg0: i32) -> (i32, i32) {
    %c0_i32 = arith.constant 0 : i32
    %c0_i32_0 = arith.constant 0 : i32
    %c0_i32_1 = arith.constant 0 : i32
    return %c0_i32, %c0_i32_0 : i32, i32
  }
  func.func @transform_6(%arg0: i32) -> (i32, i32) {
    %c0_i32 = arith.constant 0 : i32
    %c0_i32_0 = arith.constant 0 : i32
    %c0_i32_1 = arith.constant 0 : i32
    return %c0_i32, %c0_i32_0 : i32, i32
  }
  func.func @transform_7(%arg0: i32) -> (i32, i32) {
    %c0_i32 = arith.constant 0 : i32
    %c0_i32_0 = arith.constant 0 : i32
    return %arg0, %c0_i32 : i32, i32
  }
  func.func @transform_8(%arg0: i32) -> (i32, i32) {
    %c0_i32 = arith.constant 0 : i32
    %c0_i32_0 = arith.constant 0 : i32
    return %arg0, %c0_i32 : i32, i32
  }
}

</mosaic_0001>

<sc_bundles>
// kernel: kernel.11.cloned.1.call-start
scs
__scs_entry_jumppad:
0x0: {  	(pc) =	sbr.rel $0x88, $3  }
0x1: {  	(tag) =	ssettag $0x0;
	lr =	simm.s32 $0x1  }
0x2: {  	[smem:$0x3F99] =	sst lr;
	_ =	strace $0xD0000000  }
0x3: {  	_ = 	snop  }
0x4: {  	_ = 	snop  }
0x5: {  	_ = 	snop  }
0x6: {  	_ = 	snop  }
0x7: {  	_ = 	snop  }
__scs_overlays_trampoline_lowered:
0x8: {  	[smem:$0x3FA8] =	sst s0  }
0x9: {  	[smem:$0x3FA9] =	sst s1  }
0xa: {  	[smem:$0x3FAA] =	sst s2  }
0xb: {  	[smem:$0x3FAB] =	sst s3  }
0xc: {  	[smem:$0x3FAC] =	sst s4  }
0xd: {  	[smem:$0x3FAD] =	sst s5  }
0xe: {  	[smem:$0x3FAE] =	sst s6  }
0xf: {  	[smem:$0x3FAF] =	sst s7  }
0x10: {  	[smem:$0x3FB0] =	sst s8  }
0x11: {  	[smem:$0x3FB1] =	sst s9;
	s0 =	simm.s32 @!p0 $0x0  }
0x12: {  	s1 =	sld [smem:$0x3F97];
	s0 =	simm.s32 @p0 $0x1  }
0x13: {  	[smem:$0x3FB2] =	sst s0;
	s0 =	simm.s32 @!p1 $0x0  }
0x14: {  	s2 =	sld [smem:$0x3F96];
	s0 =	simm.s32 @p1 $0x1  }
0x15: {  	[smem:$0x3FB3] =	sst s0;
	s0 =	simm.s32 @!p2 $0x0  }
0x16: {  	s3 =	sld [smem:$0x3FDB];
	s0 =	simm.s32 @p2 $0x1  }
0x17: {  	s4 =	simm.s32 $0x1BF5;
	[smem:$0x3FB5] =	sst s0  }
0x18: {  	s0 =	sld [smem:$0x3F98];
	_ =	swait.ge [sflag:s4], $0x0  }
0x19: {  	s7 =	sld [smem:$0x3F99]  }
0x1a: {  	s8 =	sadd.s32 $0xFFFFE003, lr  }
0x1b: {  	s9 =	sadd.s32 $0xFFFFFEF7, lr;
	s5 =	simm.s32 $0xFFFFFFFF;
	p2 =	slt.u32 s8, $0xFFFFF086  }
0x1c: {  	p1 =	slt.u32 s9, $0xF7A;
	s5 =	simm.s32 @!p2 $0x0  }
0x1d: {  	s5 =	simm.s32 @p1 $0x1;
	p0 =	seq.s32 s7, s2  }
0x1e: {  	s7 =	smul.u32 @!p0 $0xF7A, s2;
	p2 =	seq.s32 @!p0 s5, $0x0  }
0x1f: {  	s9 =	smul.u32 $0xF7A, s1;
	s8 =	simm.s32 @!p0 $0x1BF5;
	p2 =	por !p2, p0  }
0x20: {  	[sflag:s8] =	ssyncset.s32 @!p0 $0xFFFFF086;
	s6 =	sadd.s32 @!p0 s3, s7;
	s7 =	simm.s32 @!p0 $0x108  }
0x21: {  	s3 =	sadd.s32 s3, s9;
	s6 =	sadd.s32 @!p0 $0x88, s6;
	s7 =	simm.s32 @p2 $0x1082  }
0x22: {  	[simem:s7], [sflag:s8] =	dma.local @!p0 [hbm:s6], $0xF7A  }
0x23: {  	s9 =	sor.u32 $0xD0000000, s2;
	s6 =	simm.s32 $0x108;
	_ =	swait.ge @!p0 [sflag:s8], $0x0  }
0x24: {  	s3 =	sadd.s32 $0x88, s3;
	s6 =	simm.s32 @!p1 $0x1082;
	[sflag:s4] =	ssyncset.s32 $0xFFFFF086  }
0x25: {  	[simem:s6], [sflag:s4] =	dma.local [hbm:s3], $0xF7A  }
0x26: {  	[smem:$0x3F99] =	sst s1;
	(tag) =	ssettag s2;
	_ =	strace s9  }
0x27: {  	s1 =	sld [smem:$0x3FA9]  }
0x28: {  	s2 =	sld [smem:$0x3FAA]  }
0x29: {  	s4 =	sld [smem:$0x3FAC]  }
0x2a: {  	p0 =	seq.s32 s5, $0x0;
	s5 =	sld [smem:$0x3FAD]  }
0x2b: {  	s6 =	sld [smem:$0x3FAE]  }
0x2c: {  	s7 =	sld [smem:$0x3FAF]  }
0x2d: {  	s3 =	simm.s32 $0x108;
	s8 =	sld [smem:$0x3FB0]  }
0x2e: {  	s3 =	simm.s32 @!p0 $0x1082;
	s9 =	sld [smem:$0x3FB1]  }
0x2f: {  	lr =	sadd.s32 s0, s3;
	s0 =	sld [smem:$0x3FA8]  }
0x30: {  	s3 =	sld [smem:$0x3FAB]  }
0x31: {  	[smem:$0x3FB4] =	sst s10  }
0x32: {  	s10 =	sld [smem:$0x3FB2];
	_ =	sdelay $0x3  }
0x33: {  	p0 =	seq.s32 s10, $0x1;
	s10 =	sld [smem:$0x3FB4];
	_ =	sdelay $0x3  }
0x34: {  	[smem:$0x3FB4] =	sst s10  }
0x35: {  	s10 =	sld [smem:$0x3FB3];
	_ =	sdelay $0x3  }
0x36: {  	p1 =	seq.s32 s10, $0x1;
	s10 =	sld [smem:$0x3FB4];
	_ =	sdelay $0x3  }
0x37: {  	[smem:$0x3FB4] =	sst s10  }
0x38: {  	s10 =	sld [smem:$0x3FB5]  }
0x39: {  	_ = 	snop;
	(pc) =	sbr.ind lr, $3  }
0x3a: {  	_ = 	snop  }
0x3b: {  	_ = 	snop  }
0x3c: {  	p2 =	seq.s32 s10, $0x1;
	s10 =	sld [smem:$0x3FB4]  }
0x3d: {  	_ =	shalt  }
0x3e: {  	_ =	shalt  }
0x3f: {  	_ =	shalt  }
0x40: {  	_ =	shalt  }
0x41: {  	_ =	shalt  }
0x42: {  	_ =	shalt  }
0x43: {  	_ =	shalt  }
0x44: {  	_ =	shalt  }
0x45: {  	_ =	shalt  }
0x46: {  	_ =	shalt  }
0x47: {  	_ =	shalt  }
0x48: {  	_ =	shalt  }
0x49: {  	_ =	shalt  }
0x4a: {  	_ =	shalt  }
0x4b: {  	_ =	shalt  }
0x4c: {  	_ =	shalt  }
0x4d: {  	_ =	shalt  }
0x4e: {  	_ =	shalt  }
0x4f: {  	_ =	shalt  }
0x50: {  	_ =	shalt  }
0x51: {  	_ =	shalt  }
0x52: {  	_ =	shalt  }
0x53: {  	_ =	shalt  }
0x54: {  	_ =	shalt  }
0x55: {  	_ =	shalt  }
0x56: {  	_ =	shalt  }
0x57: {  	_ =	shalt  }
0x58: {  	_ =	shalt  }
0x59: {  	_ =	shalt  }
0x5a: {  	_ =	shalt  }
0x5b: {  	_ =	shalt  }
0x5c: {  	_ =	shalt  }
0x5d: {  	_ =	shalt  }
0x5e: {  	_ =	shalt  }
0x5f: {  	_ =	shalt  }
0x60: {  	_ =	shalt  }
0x61: {  	_ =	shalt  }
0x62: {  	_ =	shalt  }
0x63: {  	_ =	shalt  }
0x64: {  	_ =	shalt  }
0x65: {  	_ =	shalt  }
0x66: {  	_ =	shalt  }
0x67: {  	_ =	shalt  }
0x68: {  	_ =	shalt  }
0x69: {  	_ =	shalt  }
0x6a: {  	_ =	shalt  }
0x6b: {  	_ =	shalt  }
0x6c: {  	_ =	shalt  }
0x6d: {  	_ =	shalt  }
0x6e: {  	_ =	shalt  }
0x6f: {  	_ =	shalt  }
0x70: {  	_ =	shalt  }
0x71: {  	_ =	shalt  }
0x72: {  	_ =	shalt  }
0x73: {  	_ =	shalt  }
0x74: {  	_ =	shalt  }
0x75: {  	_ =	shalt  }
0x76: {  	_ =	shalt  }
0x77: {  	_ =	shalt  }
0x78: {  	_ =	shalt  }
0x79: {  	_ =	shalt  }
0x7a: {  	_ =	shalt  }
0x7b: {  	_ =	shalt  }
0x7c: {  	_ =	shalt  }
0x7d: {  	_ =	shalt  }
0x7e: {  	_ =	shalt  }
0x7f: {  	_ =	shalt  }
0x80: {  	_ =	shalt  }
0x81: {  	_ =	shalt  }
0x82: {  	_ =	shalt  }
0x83: {  	_ =	shalt  }
0x84: {  	_ =	shalt  }
0x85: {  	_ =	shalt  }
0x86: {  	_ =	shalt  }
0x87: {  	_ =	shalt  }
.Lfunc_end0:
.L_simem_size_0:
called_computation.1_lowered:
.L_overlay_start_0:
0x88: {  	s2 =	sld [smem:$0x3FD9]  }
0x89: {  	s3 =	sld [smem:$0x3FFE];
	_ =	sdelay $0x1  }
0x8a: {  	s1 =	srdreg.scid  }
0x8b: {  	s0 =	sand.u32 $0x1, s1  }
0x8c: {  	s14 =	sshll.u32 s0, $0xA;
	s2 =	sadd.s32 s3, s2  }
0x8d: {  	s2 =	sadd.s32 s2, s14  }
0x8e: {  	[smem:$0x3FC0] =	sst s2  }
0x8f: {  	_ = 	snop  }
0x90: {  	s2 =	sld [smem:$0x3FD0];
	_ =	sdelay $0x2  }
0x91: {  	s15 =	simm.s32 $0xA;
	s4 =	simm.s32 $0x10  }
0x92: {  	[smem:s4], [sflag:s15] =	dma.local [hbm:s2], $0x1  }
0x93: {  	_ =	swait.eq [sflag:s15], $0x1  }
0x94: {  	[sflag:s15] =	ssyncset.done $0x0  }
0x95: {  	s16 =	sld [smem:$0x10];
	[sflag:s15] =	ssyncadd.s32 $0xFFFFFFFF  }
0x96: {  	s17 =	sld [smem:$0x11];
	(tm) =	ssettm $0x1  }
0x97: {  	s18 =	sld [smem:$0x3FFB];
	_ =	sdelay $0x3  }
0x98: {  	_ =	strace s18  }
0x99: {  	s4 =	sld [smem:$0x3FFC];
	_ =	sdelay $0x3  }
0x9a: {  	_ =	strace s4  }
0x9b: {  	s4 =	sld [smem:$0x3FFD];
	_ =	sdelay $0x3  }
0x9c: {  	_ =	strace s4  }
0x9d: {  	_ =	strace $0x8FFFFFFF  }
0x9e: {  	s19 =	sld [smem:$0x3FDB];
	_ =	sdelay $0x1  }
0x9f: {  	s5 =	simm.s32 $_scs_section_size  }
0xa0: {  	s6 =	simm.s32 $_size__tile_overlayer_lowered;
	s7 =	simm.s32 $_tile_overlayer_lowered  }
0xa1: {  	s22 =	simm.s32 $0x1BFF;
	s21 =	sshll.u32 s7, $0x1;
	s4 =	sadd.s32 s5, s19  }
0xa2: {  	s8 =	simm.s32 $0x0;
	s20 =	sshll.u32 s6, $0x1;
	s6 =	sadd.s32 s21, s4  }
0xa3: {  	[timem:s8], [sflag:s22] =	dma.local [hbm:s6], s20  }
0xa4: {  	_ =	swait.ge [sflag:s22], s20  }
0xa5: {  	s5 =	ssub.s32 $0x0, s20;
	[sflag:s22] =	ssyncset.done $0x0  }
0xa6: {  	[sflag:s22] =	ssyncadd.s32 s5;
	_ =	sdelay $0x1  }
0xa7: {  	s23 =	simm.s32 $0x1B8B  }
0xa8: {  	_ =	swait.ge [sflag:s23], $0x1  }
0xa9: {  	[sflag:s23] =	ssyncset.done $0x0  }
0xaa: {  	s25 =	simm.s32 $0x1B8E;
	s24 =	sld [smem:$0x3FFE];
	[sflag:s23] =	ssyncadd.s32 $0xFFFFFFFF  }
0xab: {  	s26 =	simm.s32 $execute0_lowered;
	[smem:$0x3FD2] =	sst s25  }
0xac: {  	s6 =	sshll.u32 s26, $0x1;
	_ =	strace $0x80000049;
	[dreg:$0x1] =	wrdreg $0xFFFFFFFF  }
0xad: {  	s28 =	simm.s32 $_size_execute0_lowered;
	s4 =	sadd.s32 s4, s6;
	[dreg:$0x0] =	wrdreg $0x0  }
0xae: {  	s6 =	sshll.u32 s28, $0x1;
	[dreg:$0x2] =	wrdreg s4  }
0xaf: {  	[dreg:$0x3] =	wrdreg s6  }
0xb0: {  	[dreg:$0x4] =	wrdreg $0xC0  }
0xb1: {  	_ =	task [dreg:s8], $0x5FFFF  }
0xb2: {  	[dreg:$0x1] =	wrdreg $0xFFFFFFFF  }
0xb3: {  	[dreg:$0x0] =	wrdreg $0x60  }
0xb4: {  	[dreg:$0x2] =	wrdreg s24  }
0xb5: {  	[dreg:$0x3] =	wrdreg s16  }
0xb6: {  	[dreg:$0x4] =	wrdreg s17  }
0xb7: {  	[dreg:$0x5] =	wrdreg $0x90000  }
0xb8: {  	[dreg:$0x6] =	wrdreg $0x9  }
0xb9: {  	_ =	task.clear_ibuf [dreg:s8], $0x7FFFF;
	_ =	strace $0x90000049  }
0xba: {  	s29 =	simm.s32 $0x9;
	_ =	strace $0x8000004B  }
0xbb: {  	_ =	swait.ge [sflag:s29], $0x1  }
0xbc: {  	[sflag:s29] =	ssyncadd.s32 $0xFFFFFFFF  }
0xbd: {  	_ =	strace $0x9000004B  }
0xbe: {  	_ =	sfence  }
0xbf: {  	s30 =	sld [smem:$0x0];
	_ =	sdelay $0x2  }
0xc0: {  	s31 =	sshll.u32 s1, $0xD;
	s1 =	sshrl.u32 s1, $0x2  }
0xc1: {  	s3 =	sand.u32 $0x4000, s31;
	s1 =	sadd.s32 s1, s30  }
0xc2: {  	s0 =	sor.u32 s3, s0;
	s1 =	sshll.u32 s1, $0x11  }
0xc3: {  	s0 =	sor.u32 s1, s0  }
0xc4: {  	s0 =	sadd.s32 $0x8F2B, s0  }
0xc5: {  	[sflag:s0] =	ssyncadd.remote.s32 $0x1  }
0xc6: {  	_ =	sfence.sel $0xFFFF  }
0xc7: {  	[dreg:$0x0] =	wrdreg $0xFFFFFFFF;
	(pc) =	sbr.abs _section_cstart, $3  }
0xc8: {  	[dreg:$0x1] =	wrdreg $0xFFFFFFFF  }
0xc9: {  	_ =	task.clear_ibuf [dreg:s8], $0x2FFFF;
	_ =	strace $0x9FFFFFFF  }
0xca: {  	(tm) =	ssettm $0x7FFFFFFF  }
0xcb: {  	_ =	shalt  }
tec
execute0_lowered:
.L_overlay_start_1:
0x0: {  	(tag) =	ssettag $0x1  }
0x1: {  	s5 =	rddreg [dreg:$0x0]  }
0x2: {  	s10 =	rddreg [dreg:$0x1]  }
0x3: {  	s11 =	rddreg [dreg:$0x2]  }
0x4: {  	s1 =	rddreg [dreg:$0x3]  }
0x5: {  	s0 =	rddreg [dreg:$0x4];
	s3 =	simm.s32 $0x0;
	s4 =	srdreg.scid  }
0x6: {  	s2 =	stileid.u32;
	s21 =	simm.s32 $0x80;
	s22 =	simm.s32 $0x1  }
0x7: {  	[smem:$0x7FF] =	sst s3;
	s8 =	sand.u32 $0x1, s4;
	s7 =	smul.u32 $0x50000, s2  }
0x8: {  	s4 =	sadd.s32 $0x2200, s5;
	s12 =	smul.u32 $0x14000, s2;
	s16 =	sadd.s32 $0x29400, s5  }
0x9: {  	_ =	strace $0x8000004A;
	s6 =	ssub.s32 $0x2, s8;
	s29 =	sshll.u32 s8, $0x4  }
0xa: {  	s18 =	smul.u32 $0x140000, s8;
	s9 =	sshrl.u32 s6, $0x1;
	s30 =	sor.u32 s2, s29  }
0xb: {  	s31 =	sshrl.u32 s7, $0x2;
	s13 =	sadd.s32 $0x4000, s12;
	s14 =	sadd.s32 $0x8000, s12  }
0xc: {  	s15 =	sadd.s32 $0xC000, s12;
	s19 =	sadd.s32 $0x10000, s12;
	s17 =	ssub.s32 s6, s9  }
0xd: {  	s5 =	sadd.s32 s31, s1;
	s6 =	sadd.s32 s13, s1;
	s7 =	sadd.s32 s14, s1  }
0xe: {  	s8 =	sadd.s32 s15, s1;
	s20 =	smul.u32 $0x500, s30;
	s9 =	sadd.s32 s19, s1  }
0xf: {  	s12 =	sadd.s32 s12, s18;
	s13 =	sadd.s32 s18, s13;
	s14 =	sadd.s32 s18, s14  }
0x10: {  	s15 =	sadd.s32 s18, s15;
	s18 =	sadd.s32 s18, s19;
	s19 =	simm.s32 $0x2  }
0x11: {  	s12 =	sshrl.u32 s12, $0x3;
	s13 =	sshrl.u32 s13, $0x3;
	s14 =	sshrl.u32 s14, $0x3  }
0x12: {  	s15 =	sshrl.u32 s15, $0x3;
	s18 =	sshrl.u32 s18, $0x3;
	s17 =	smax.u32 s17, $0x1  }
0x13: {  	s10 =	sadd.s32 s10, s20;
	s11 =	sadd.s32 s11, s20;
	s12 =	sadd.s32 s16, s12  }
0x14: {  	s13 =	sadd.s32 s16, s13;
	s14 =	sadd.s32 s16, s14;
	s15 =	sadd.s32 s16, s15  }
0x15: {  	v0 =	vimm.f32 $0.0e+00;
	s16 =	sadd.s32 s16, s18;
	s18 =	simm.s32 $0x5000;
	s20 =	simm.s32 $0x2800  }
.LBB2_1:
0x16: {  	s23 =	simm.s32 $0x0;
	s24 =	simm.s32 $0x200  }
.LBB2_2:
0x17: {  	p0 =	sne.s32 s24, $0xFE00;
	[tilespmem:s23+$0x5070] =	vst v0  }
0x18: {  	[tilespmem:s23+$0x5000] =	vst v0  }
0x19: {  	[tilespmem:s23+$0x5010] =	vst v0  }
.Ltmp0:
0x1a: {  	[tilespmem:s23+$0x5020] =	vst v0;
	(pc) =	sbr.rel @p0 .LBB2_2-.Ltmp0, $4  }
0x1b: {  	[tilespmem:s23+$0x5030] =	vst v0  }
0x1c: {  	[tilespmem:s23+$0x5040] =	vst v0  }
0x1d: {  	[tilespmem:s23+$0x5050] =	vst v0  }
0x1e: {  	[tilespmem:s23+$0x5060] =	vst v0;
	s23 =	sshra.s32 s24, $0x2;
	s24 =	sadd.s32 $0x200, s24  }
0x1f: {  	[tilespmem:s23+$0x5070] =	vst v0  }
0x20: {  	[tilespmem:s23+$0x5000] =	vst v0  }
0x21: {  	[tilespmem:s23+$0x5010] =	vst v0  }
0x22: {  	[tilespmem:s23+$0x5020] =	vst v0  }
0x23: {  	[tilespmem:s23+$0x5030] =	vst v0  }
0x24: {  	[tilespmem:s23+$0x5040] =	vst v0  }
0x25: {  	[tilespmem:s23+$0x5050] =	vst v0  }
0x26: {  	[tilespmem:s23+$0x5060] =	vst v0  }
0x27: {  	[spmem:s5] =	stream.linear.scatter [tilespmem:s18], [sflag:$0x2], $0x4000, $0x38;
	[tilespmem:$0x1D000] =	vst v63  }
0x28: {  	_ =	swait.ge [sflag:s19], $0x4000  }
0x29: {  	[sflag:s19] =	ssyncset.done $0x0  }
0x2a: {  	[sflag:s19] =	ssyncadd.s32 $0xFFFFC000  }
0x2b: {  	[spmem:s6] =	stream.linear.scatter [tilespmem:s18], [sflag:$0x2], $0x4000, $0x38;
	[tilespmem:$0x1D000] =	vst v63  }
0x2c: {  	_ =	swait.ge [sflag:s19], $0x4000  }
0x2d: {  	[sflag:s19] =	ssyncset.done $0x0  }
0x2e: {  	[sflag:s19] =	ssyncadd.s32 $0xFFFFC000  }
0x2f: {  	[spmem:s7] =	stream.linear.scatter [tilespmem:s18], [sflag:$0x2], $0x4000, $0x38;
	[tilespmem:$0x1D000] =	vst v63  }
0x30: {  	_ =	swait.ge [sflag:s19], $0x4000  }
0x31: {  	[sflag:s19] =	ssyncset.done $0x0  }
0x32: {  	[sflag:s19] =	ssyncadd.s32 $0xFFFFC000  }
0x33: {  	[spmem:s8] =	stream.linear.scatter [tilespmem:s18], [sflag:$0x2], $0x4000, $0x38;
	[tilespmem:$0x1D000] =	vst v63  }
0x34: {  	_ =	swait.ge [sflag:s19], $0x4000  }
0x35: {  	[sflag:s19] =	ssyncset.done $0x0  }
0x36: {  	[sflag:s19] =	ssyncadd.s32 $0xFFFFC000  }
0x37: {  	[spmem:s9] =	stream.linear.scatter [tilespmem:s18], [sflag:$0x2], $0x4000, $0x38;
	[tilespmem:$0x1D000] =	vst v63  }
0x38: {  	_ =	swait.ge [sflag:s19], $0x4000  }
0x39: {  	[sflag:s19] =	ssyncset.done $0x0  }
0x3a: {  	s29 =	simm.s32 $0x0;
	[sflag:s19] =	ssyncadd.s32 $0xFFFFC000  }
0x3b: {  	[tilespmem:s29], [sflag:$0x2] =	stream.linear.gather [hbm4b:s10+s29], $0x2780, $0x38;
	[tilespmem:$0x1D000] =	vst v63  }
0x3c: {  	_ =	swait.ge [sflag:s19], $0x2780  }
0x3d: {  	[sflag:s19] =	ssyncset.done $0x0  }
0x3e: {  	[sflag:s19] =	ssyncadd.s32 $0xFFFFD880  }
0x3f: {  	[tilespmem:s20], [sflag:$0x2] =	stream.linear.gather [hbm4b:s11+s29], $0x2780, $0x38;
	[tilespmem:$0x1D000] =	vst v63  }
0x40: {  	_ =	swait.ge [sflag:s19], $0x2780  }
0x41: {  	[sflag:s19] =	ssyncset.done $0x0  }
0x42: {  	[sflag:s19] =	ssyncadd.s32 $0xFFFFD880  }
0x43: {  	s30 =	simm.s32 $0x0;
	[bflag:$0x0] =	sbarrier.arrive $0xFFFF  }
0x44: {  	[tilespmem:s18], [sflag:$0x1] =	stream.indirect.gather [hbm4b:s4+s21], $0x80, s30, s21, $0xb8;
	[tilespmem:$0x1D000] =	vst v63  }
0x45: {  	_ =	swait.ge [sflag:s22], $0x4000  }
0x46: {  	[sflag:s22] =	ssyncset.done $0x0  }
0x47: {  	s31 =	simm.s32 $0x2800;
	[sflag:s22] =	ssyncadd.s32 $0xFFFFC000  }
0x48: {  	[spmem:s1] =	stream.indirect.scatter.add.f32 [tilespmem:s18], [sflag:$0x2], $0x80, s31, s21, $0xb8;
	[tilespmem:$0x1D000] =	vst v63  }
0x49: {  	_ =	swait.ge [sflag:s19], $0x4000  }
0x4a: {  	s23 =	simm.s32 $0x200;
	s24 =	simm.s32 $0x400;
	[sflag:s19] =	ssyncset.done $0x0  }
.LBB2_4:
0x4b: {  	s25 =	sshra.s32 s23, $0x2  }
0x4c: {  	[sflag:s19] =	ssyncadd.s32 $0xFFFFC000;
	s23 =	smov.u32 s24;
	s26 =	sadd.s32 $0x200, s24  }
0x4d: {  	[tilespmem:s18], [sflag:$0x1] =	stream.indirect.gather [hbm4b:s4+s21], $0x80, s25, s21, $0xb8;
	[tilespmem:$0x1D000] =	vst v63  }
0x4e: {  	p0 =	sne.s32 s24, $0x9C00;
	_ =	swait.ge [sflag:s22], $0x4000  }
.Ltmp1:
0x4f: {  	[sflag:s22] =	ssyncset.done $0x0;
	(pc) =	sbr.rel @p0 .LBB2_4-.Ltmp1, $4  }
0x50: {  	s24 =	sadd.s32 $0x2800, s25;
	[sflag:s22] =	ssyncadd.s32 $0xFFFFC000  }
0x51: {  	[spmem:s1] =	stream.indirect.scatter.add.f32 [tilespmem:s18], [sflag:$0x2], $0x80, s24, s21, $0xb8;
	[tilespmem:$0x1D000] =	vst v63  }
0x52: {  	_ =	swait.ge [sflag:s19], $0x4000  }
0x53: {  	s24 =	smov.u32 s26;
	[sflag:s19] =	ssyncset.done $0x0  }
0x54: {  	s23 =	sshra.s32 s23, $0x2;
	[sflag:s19] =	ssyncadd.s32 $0xFFFFC000  }
0x55: {  	[tilespmem:s18], [sflag:$0x1] =	stream.indirect.gather [hbm4b:s4+s21], $0x80, s23, s21, $0xb8;
	[tilespmem:$0x1D000] =	vst v63  }
0x56: {  	_ =	swait.ge [sflag:s22], $0x4000  }
0x57: {  	[sflag:s22] =	ssyncset.done $0x0  }
0x58: {  	s23 =	sadd.s32 $0x2800, s23;
	[sflag:s22] =	ssyncadd.s32 $0xFFFFC000  }
0x59: {  	[spmem:s1] =	stream.indirect.scatter.add.f32 [tilespmem:s18], [sflag:$0x2], $0x80, s23, s21, $0xb8;
	[tilespmem:$0x1D000] =	vst v63  }
0x5a: {  	_ =	swait.ge [sflag:s19], $0x4000  }
0x5b: {  	[sflag:s19] =	ssyncset.done $0x0  }
0x5c: {  	s26 =	sshll.u32 s2, $0x6;
	[sflag:s19] =	ssyncadd.s32 $0xFFFFC000  }
0x5d: {  	s24 =	sshrl.u32 s5, $0x3;
	s23 =	sor.u32 $0x1C02, s26;
	[bflag:$0x0] =	sbarrier.arrive $0xFFFF  }
0x5e: {  	[hbm:s12], [sflag:s23] =	dma.local [spmem:s24], $0x800  }
0x5f: {  	_ =	swait.ge [sflag:s19], $0x800  }
0x60: {  	[sflag:s19] =	ssyncset.done $0x0  }
0x61: {  	s28 =	sshrl.u32 s6, $0x3;
	[sflag:s19] =	ssyncadd.s32 $0xFFFFF800  }
0x62: {  	[hbm:s13], [sflag:s23] =	dma.local [spmem:s28], $0x800  }
0x63: {  	_ =	swait.ge [sflag:s19], $0x800  }
0x64: {  	[sflag:s19] =	ssyncset.done $0x0  }
0x65: {  	s29 =	sshrl.u32 s7, $0x3;
	[sflag:s19] =	ssyncadd.s32 $0xFFFFF800  }
0x66: {  	[hbm:s14], [sflag:s23] =	dma.local [spmem:s29], $0x800  }
0x67: {  	_ =	swait.ge [sflag:s19], $0x800  }
0x68: {  	[sflag:s19] =	ssyncset.done $0x0  }
0x69: {  	s30 =	sshrl.u32 s8, $0x3;
	[sflag:s19] =	ssyncadd.s32 $0xFFFFF800  }
0x6a: {  	[hbm:s15], [sflag:s23] =	dma.local [spmem:s30], $0x800  }
0x6b: {  	s3 =	sadd.s32 $0x1, s3;
	_ =	swait.ge [sflag:s19], $0x800  }
0x6c: {  	p0 =	sne.s32 s3, s17;
	[sflag:s19] =	ssyncset.done $0x0  }
.Ltmp2:
0x6d: {  	s31 =	sshrl.u32 s9, $0x3;
	[sflag:s19] =	ssyncadd.s32 $0xFFFFF800;
	(pc) =	sbr.rel @p0 .LBB2_1-.Ltmp2, $4  }
0x6e: {  	[hbm:s16], [sflag:s23] =	dma.local [spmem:s31], $0x800  }
0x6f: {  	_ =	swait.ge [sflag:s19], $0x800  }
0x70: {  	[sflag:s19] =	ssyncset.done $0x0  }
0x71: {  	[sflag:s19] =	ssyncadd.s32 $0xFFFFF800  }
0x72: {  	_ =	sfence.sel $0x180000  }
0x73: {  	[bflag:$0x0] =	sbarrier.arrive $0xFFFF  }
0x74: {  	p0 =	sne.s32 s2, $0x0;
	_ =	strace $0x9000004A  }
0x75: {  	s0 =	sadd.s32 @!p0 $0x100000, s0;
	[bflag:$0x2] =	sbarrier.arrive $0xFFFF  }
0x76: {  	[sflag:s0] =	ssyncadd.tile.s32 @!p0 $0x1;
	_ =	shalt  }
.Lfunc_end2:
_tile_overlayer_lowered:
.L_overlay_start_2:
0x77: {  	(tag) =	ssettag $0x2  }
0x78: {  	s0 =	rddreg [dreg:$0x0];
	s2 =	stileid.u32  }
0x79: {  	s1 =	rddreg [dreg:$0x1];
	p0 =	sne.s32 s2, $0x0  }
0x7a: {  	s3 =	rddreg [dreg:$0x2];
	[bflag:$0x3] =	sbarrier.arrive $0xFFFF;
	s2 =	simm.s32 @!p0 $0x1C02  }
0x7b: {  	[timem:s3], [sflag:s2] =	dma.local @!p0 [hbm:s0], s1  }
0x7c: {  	s0 =	simm.s32 @!p0 $0x2  }
0x7d: {  	_ =	swait.ge @!p0 [sflag:s0], s1  }
0x7e: {  	s1 =	ssub.s32 @!p0 $0x0, s1;
	[sflag:s0] =	ssyncset.done @!p0 $0x0  }
0x7f: {  	[sflag:s0] =	ssyncadd.s32 @!p0 s1  }
0x80: {  	[bflag:$0x3] =	sbarrier.arrive $0xFFFF  }
0x81: {  	_ =	shalt  }

// kernel: kernel.14.cloned.1.call-start
scs
__scs_entry_jumppad:
0x0: {  	(pc) =	sbr.rel $0x88, $3  }
0x1: {  	(tag) =	ssettag $0x0;
	lr =	simm.s32 $0x1  }
0x2: {  	[smem:$0x3F99] =	sst lr;
	_ =	strace $0xD0000000  }
0x3: {  	_ = 	snop  }
0x4: {  	_ = 	snop  }
0x5: {  	_ = 	snop  }
0x6: {  	_ = 	snop  }
0x7: {  	_ = 	snop  }
__scs_overlays_trampoline_lowered:
0x8: {  	[smem:$0x3FA8] =	sst s0  }
0x9: {  	[smem:$0x3FA9] =	sst s1  }
0xa: {  	[smem:$0x3FAA] =	sst s2  }
0xb: {  	[smem:$0x3FAB] =	sst s3  }
0xc: {  	[smem:$0x3FAC] =	sst s4  }
0xd: {  	[smem:$0x3FAD] =	sst s5  }
0xe: {  	[smem:$0x3FAE] =	sst s6  }
0xf: {  	[smem:$0x3FAF] =	sst s7  }
0x10: {  	[smem:$0x3FB0] =	sst s8  }
0x11: {  	[smem:$0x3FB1] =	sst s9;
	s0 =	simm.s32 @!p0 $0x0  }
0x12: {  	s1 =	sld [smem:$0x3F97];
	s0 =	simm.s32 @p0 $0x1  }
0x13: {  	[smem:$0x3FB2] =	sst s0;
	s0 =	simm.s32 @!p1 $0x0  }
0x14: {  	s2 =	sld [smem:$0x3F96];
	s0 =	simm.s32 @p1 $0x1  }
0x15: {  	[smem:$0x3FB3] =	sst s0;
	s0 =	simm.s32 @!p2 $0x0  }
0x16: {  	s3 =	sld [smem:$0x3FDB];
	s0 =	simm.s32 @p2 $0x1  }
0x17: {  	s4 =	simm.s32 $0x1BF5;
	[smem:$0x3FB5] =	sst s0  }
0x18: {  	s0 =	sld [smem:$0x3F98];
	_ =	swait.ge [sflag:s4], $0x0  }
0x19: {  	s7 =	sld [smem:$0x3F99]  }
0x1a: {  	s8 =	sadd.s32 $0xFFFFE003, lr  }
0x1b: {  	s9 =	sadd.s32 $0xFFFFFEF7, lr;
	s5 =	simm.s32 $0xFFFFFFFF;
	p2 =	slt.u32 s8, $0xFFFFF086  }
0x1c: {  	p1 =	slt.u32 s9, $0xF7A;
	s5 =	simm.s32 @!p2 $0x0  }
0x1d: {  	s5 =	simm.s32 @p1 $0x1;
	p0 =	seq.s32 s7, s2  }
0x1e: {  	s7 =	smul.u32 @!p0 $0xF7A, s2;
	p2 =	seq.s32 @!p0 s5, $0x0  }
0x1f: {  	s9 =	smul.u32 $0xF7A, s1;
	s8 =	simm.s32 @!p0 $0x1BF5;
	p2 =	por !p2, p0  }
0x20: {  	[sflag:s8] =	ssyncset.s32 @!p0 $0xFFFFF086;
	s6 =	sadd.s32 @!p0 s3, s7;
	s7 =	simm.s32 @!p0 $0x108  }
0x21: {  	s3 =	sadd.s32 s3, s9;
	s6 =	sadd.s32 @!p0 $0x88, s6;
	s7 =	simm.s32 @p2 $0x1082  }
0x22: {  	[simem:s7], [sflag:s8] =	dma.local @!p0 [hbm:s6], $0xF7A  }
0x23: {  	s9 =	sor.u32 $0xD0000000, s2;
	s6 =	simm.s32 $0x108;
	_ =	swait.ge @!p0 [sflag:s8], $0x0  }
0x24: {  	s3 =	sadd.s32 $0x88, s3;
	s6 =	simm.s32 @!p1 $0x1082;
	[sflag:s4] =	ssyncset.s32 $0xFFFFF086  }
0x25: {  	[simem:s6], [sflag:s4] =	dma.local [hbm:s3], $0xF7A  }
0x26: {  	[smem:$0x3F99] =	sst s1;
	(tag) =	ssettag s2;
	_ =	strace s9  }
0x27: {  	s1 =	sld [smem:$0x3FA9]  }
0x28: {  	s2 =	sld [smem:$0x3FAA]  }
0x29: {  	s4 =	sld [smem:$0x3FAC]  }
0x2a: {  	p0 =	seq.s32 s5, $0x0;
	s5 =	sld [smem:$0x3FAD]  }
0x2b: {  	s6 =	sld [smem:$0x3FAE]  }
0x2c: {  	s7 =	sld [smem:$0x3FAF]  }
0x2d: {  	s3 =	simm.s32 $0x108;
	s8 =	sld [smem:$0x3FB0]  }
0x2e: {  	s3 =	simm.s32 @!p0 $0x1082;
	s9 =	sld [smem:$0x3FB1]  }
0x2f: {  	lr =	sadd.s32 s0, s3;
	s0 =	sld [smem:$0x3FA8]  }
0x30: {  	s3 =	sld [smem:$0x3FAB]  }
0x31: {  	[smem:$0x3FB4] =	sst s10  }
0x32: {  	s10 =	sld [smem:$0x3FB2];
	_ =	sdelay $0x3  }
0x33: {  	p0 =	seq.s32 s10, $0x1;
	s10 =	sld [smem:$0x3FB4];
	_ =	sdelay $0x3  }
0x34: {  	[smem:$0x3FB4] =	sst s10  }
0x35: {  	s10 =	sld [smem:$0x3FB3];
	_ =	sdelay $0x3  }
0x36: {  	p1 =	seq.s32 s10, $0x1;
	s10 =	sld [smem:$0x3FB4];
	_ =	sdelay $0x3  }
0x37: {  	[smem:$0x3FB4] =	sst s10  }
0x38: {  	s10 =	sld [smem:$0x3FB5]  }
0x39: {  	_ = 	snop;
	(pc) =	sbr.ind lr, $3  }
0x3a: {  	_ = 	snop  }
0x3b: {  	_ = 	snop  }
0x3c: {  	p2 =	seq.s32 s10, $0x1;
	s10 =	sld [smem:$0x3FB4]  }
0x3d: {  	_ =	shalt  }
0x3e: {  	_ =	shalt  }
0x3f: {  	_ =	shalt  }
0x40: {  	_ =	shalt  }
0x41: {  	_ =	shalt  }
0x42: {  	_ =	shalt  }
0x43: {  	_ =	shalt  }
0x44: {  	_ =	shalt  }
0x45: {  	_ =	shalt  }
0x46: {  	_ =	shalt  }
0x47: {  	_ =	shalt  }
0x48: {  	_ =	shalt  }
0x49: {  	_ =	shalt  }
0x4a: {  	_ =	shalt  }
0x4b: {  	_ =	shalt  }
0x4c: {  	_ =	shalt  }
0x4d: {  	_ =	shalt  }
0x4e: {  	_ =	shalt  }
0x4f: {  	_ =	shalt  }
0x50: {  	_ =	shalt  }
0x51: {  	_ =	shalt  }
0x52: {  	_ =	shalt  }
0x53: {  	_ =	shalt  }
0x54: {  	_ =	shalt  }
0x55: {  	_ =	shalt  }
0x56: {  	_ =	shalt  }
0x57: {  	_ =	shalt  }
0x58: {  	_ =	shalt  }
0x59: {  	_ =	shalt  }
0x5a: {  	_ =	shalt  }
0x5b: {  	_ =	shalt  }
0x5c: {  	_ =	shalt  }
0x5d: {  	_ =	shalt  }
0x5e: {  	_ =	shalt  }
0x5f: {  	_ =	shalt  }
0x60: {  	_ =	shalt  }
0x61: {  	_ =	shalt  }
0x62: {  	_ =	shalt  }
0x63: {  	_ =	shalt  }
0x64: {  	_ =	shalt  }
0x65: {  	_ =	shalt  }
0x66: {  	_ =	shalt  }
0x67: {  	_ =	shalt  }
0x68: {  	_ =	shalt  }
0x69: {  	_ =	shalt  }
0x6a: {  	_ =	shalt  }
0x6b: {  	_ =	shalt  }
0x6c: {  	_ =	shalt  }
0x6d: {  	_ =	shalt  }
0x6e: {  	_ =	shalt  }
0x6f: {  	_ =	shalt  }
0x70: {  	_ =	shalt  }
0x71: {  	_ =	shalt  }
0x72: {  	_ =	shalt  }
0x73: {  	_ =	shalt  }
0x74: {  	_ =	shalt  }
0x75: {  	_ =	shalt  }
0x76: {  	_ =	shalt  }
0x77: {  	_ =	shalt  }
0x78: {  	_ =	shalt  }
0x79: {  	_ =	shalt  }
0x7a: {  	_ =	shalt  }
0x7b: {  	_ =	shalt  }
0x7c: {  	_ =	shalt  }
0x7d: {  	_ =	shalt  }
0x7e: {  	_ =	shalt  }
0x7f: {  	_ =	shalt  }
0x80: {  	_ =	shalt  }
0x81: {  	_ =	shalt  }
0x82: {  	_ =	shalt  }
0x83: {  	_ =	shalt  }
0x84: {  	_ =	shalt  }
0x85: {  	_ =	shalt  }
0x86: {  	_ =	shalt  }
0x87: {  	_ =	shalt  }
.Lfunc_end0:
.L_simem_size_0:
called_computation.2_lowered:
.L_overlay_start_0:
0x88: {  	s2 =	sld [smem:$0x3FD9]  }
0x89: {  	s3 =	sld [smem:$0x3FFE];
	_ =	sdelay $0x1  }
0x8a: {  	s1 =	srdreg.scid  }
0x8b: {  	s0 =	sand.u32 $0x1, s1  }
0x8c: {  	s14 =	sshll.u32 s0, $0xA;
	s2 =	sadd.s32 s3, s2  }
0x8d: {  	s2 =	sadd.s32 s2, s14  }
0x8e: {  	[smem:$0x3FC0] =	sst s2  }
0x8f: {  	_ = 	snop  }
0x90: {  	s2 =	sld [smem:$0x3FD0];
	_ =	sdelay $0x2  }
0x91: {  	s15 =	simm.s32 $0xA;
	s4 =	simm.s32 $0x10  }
0x92: {  	[smem:s4], [sflag:s15] =	dma.local [hbm:s2], $0x1  }
0x93: {  	_ =	swait.eq [sflag:s15], $0x1  }
0x94: {  	[sflag:s15] =	ssyncset.done $0x0  }
0x95: {  	s16 =	sld [smem:$0x10];
	[sflag:s15] =	ssyncadd.s32 $0xFFFFFFFF  }
0x96: {  	s17 =	sld [smem:$0x11];
	(tm) =	ssettm $0x1  }
0x97: {  	s18 =	sld [smem:$0x3FFB];
	_ =	sdelay $0x3  }
0x98: {  	_ =	strace s18  }
0x99: {  	s4 =	sld [smem:$0x3FFC];
	_ =	sdelay $0x3  }
0x9a: {  	_ =	strace s4  }
0x9b: {  	s4 =	sld [smem:$0x3FFD];
	_ =	sdelay $0x3  }
0x9c: {  	_ =	strace s4  }
0x9d: {  	_ =	strace $0x8FFFFFFF  }
0x9e: {  	s19 =	sld [smem:$0x3FDB];
	_ =	sdelay $0x1  }
0x9f: {  	s5 =	simm.s32 $_scs_section_size  }
0xa0: {  	s6 =	simm.s32 $_size__tile_overlayer_lowered;
	s7 =	simm.s32 $_tile_overlayer_lowered  }
0xa1: {  	s22 =	simm.s32 $0x1BFF;
	s21 =	sshll.u32 s7, $0x1;
	s4 =	sadd.s32 s5, s19  }
0xa2: {  	s8 =	simm.s32 $0x0;
	s20 =	sshll.u32 s6, $0x1;
	s6 =	sadd.s32 s21, s4  }
0xa3: {  	[timem:s8], [sflag:s22] =	dma.local [hbm:s6], s20  }
0xa4: {  	_ =	swait.ge [sflag:s22], s20  }
0xa5: {  	s5 =	ssub.s32 $0x0, s20;
	[sflag:s22] =	ssyncset.done $0x0  }
0xa6: {  	[sflag:s22] =	ssyncadd.s32 s5;
	_ =	sdelay $0x1  }
0xa7: {  	s23 =	simm.s32 $0x1B8B  }
0xa8: {  	_ =	swait.ge [sflag:s23], $0x1  }
0xa9: {  	[sflag:s23] =	ssyncset.done $0x0  }
0xaa: {  	s25 =	simm.s32 $0x1B8E;
	s24 =	sld [smem:$0x3FFE];
	[sflag:s23] =	ssyncadd.s32 $0xFFFFFFFF  }
0xab: {  	s26 =	simm.s32 $execute0_lowered;
	[smem:$0x3FD2] =	sst s25  }
0xac: {  	s6 =	sshll.u32 s26, $0x1;
	_ =	strace $0x8000004C;
	[dreg:$0x1] =	wrdreg $0xFFFFFFFF  }
0xad: {  	s28 =	simm.s32 $_size_execute0_lowered;
	s4 =	sadd.s32 s4, s6;
	[dreg:$0x0] =	wrdreg $0x0  }
0xae: {  	s6 =	sshll.u32 s28, $0x1;
	[dreg:$0x2] =	wrdreg s4  }
0xaf: {  	[dreg:$0x3] =	wrdreg s6  }
0xb0: {  	[dreg:$0x4] =	wrdreg $0xC0  }
0xb1: {  	_ =	task [dreg:s8], $0x5FFFF  }
0xb2: {  	[dreg:$0x1] =	wrdreg $0xFFFFFFFF  }
0xb3: {  	[dreg:$0x0] =	wrdreg $0x60  }
0xb4: {  	[dreg:$0x2] =	wrdreg s24  }
0xb5: {  	[dreg:$0x3] =	wrdreg s16  }
0xb6: {  	[dreg:$0x4] =	wrdreg s17  }
0xb7: {  	[dreg:$0x5] =	wrdreg $0x90000  }
0xb8: {  	[dreg:$0x6] =	wrdreg $0x9  }
0xb9: {  	_ =	task.clear_ibuf [dreg:s8], $0x7FFFF;
	_ =	strace $0x9000004C  }
0xba: {  	s29 =	simm.s32 $0x9;
	_ =	strace $0x8000004E  }
0xbb: {  	_ =	swait.ge [sflag:s29], $0x1  }
0xbc: {  	[sflag:s29] =	ssyncadd.s32 $0xFFFFFFFF  }
0xbd: {  	_ =	strace $0x9000004E  }
0xbe: {  	_ =	sfence  }
0xbf: {  	s30 =	sld [smem:$0x0];
	_ =	sdelay $0x2  }
0xc0: {  	s31 =	sshll.u32 s1, $0xD;
	s1 =	sshrl.u32 s1, $0x2  }
0xc1: {  	s3 =	sand.u32 $0x4000, s31;
	s1 =	sadd.s32 s1, s30  }
0xc2: {  	s0 =	sor.u32 s3, s0;
	s1 =	sshll.u32 s1, $0x11  }
0xc3: {  	s0 =	sor.u32 s1, s0  }
0xc4: {  	s0 =	sadd.s32 $0x8F2B, s0  }
0xc5: {  	[sflag:s0] =	ssyncadd.remote.s32 $0x1  }
0xc6: {  	_ =	sfence.sel $0xFFFF  }
0xc7: {  	[dreg:$0x0] =	wrdreg $0xFFFFFFFF;
	(pc) =	sbr.abs _section_cstart, $3  }
0xc8: {  	[dreg:$0x1] =	wrdreg $0xFFFFFFFF  }
0xc9: {  	_ =	task.clear_ibuf [dreg:s8], $0x2FFFF;
	_ =	strace $0x9FFFFFFF  }
0xca: {  	(tm) =	ssettm $0x7FFFFFFF  }
0xcb: {  	_ =	shalt  }
tec
execute0_lowered:
.L_overlay_start_1:
0x0: {  	(tag) =	ssettag $0x1  }
0x1: {  	s5 =	rddreg [dreg:$0x0]  }
0x2: {  	s10 =	rddreg [dreg:$0x1]  }
0x3: {  	s11 =	rddreg [dreg:$0x2]  }
0x4: {  	s1 =	rddreg [dreg:$0x3]  }
0x5: {  	s0 =	rddreg [dreg:$0x4];
	s3 =	simm.s32 $0x0;
	s4 =	srdreg.scid  }
0x6: {  	s2 =	stileid.u32;
	s21 =	simm.s32 $0x80;
	s22 =	simm.s32 $0x1  }
0x7: {  	[smem:$0x7FF] =	sst s3;
	s8 =	sand.u32 $0x1, s4;
	s7 =	smul.u32 $0x50000, s2  }
0x8: {  	s4 =	sadd.s32 $0x2200, s5;
	s12 =	smul.u32 $0x14000, s2;
	s16 =	sadd.s32 $0x29400, s5  }
0x9: {  	_ =	strace $0x8000004D;
	s6 =	ssub.s32 $0x2, s8;
	s29 =	sshll.u32 s8, $0x4  }
0xa: {  	s18 =	smul.u32 $0x140000, s8;
	s9 =	sshrl.u32 s6, $0x1;
	s30 =	sor.u32 s2, s29  }
0xb: {  	s31 =	sshrl.u32 s7, $0x2;
	s13 =	sadd.s32 $0x4000, s12;
	s14 =	sadd.s32 $0x8000, s12  }
0xc: {  	s15 =	sadd.s32 $0xC000, s12;
	s19 =	sadd.s32 $0x10000, s12;
	s17 =	ssub.s32 s6, s9  }
0xd: {  	s5 =	sadd.s32 s31, s1;
	s6 =	sadd.s32 s13, s1;
	s7 =	sadd.s32 s14, s1  }
0xe: {  	s8 =	sadd.s32 s15, s1;
	s20 =	smul.u32 $0x500, s30;
	s9 =	sadd.s32 s19, s1  }
0xf: {  	s12 =	sadd.s32 s12, s18;
	s13 =	sadd.s32 s18, s13;
	s14 =	sadd.s32 s18, s14  }
0x10: {  	s15 =	sadd.s32 s18, s15;
	s18 =	sadd.s32 s18, s19;
	s19 =	simm.s32 $0x2  }
0x11: {  	s12 =	sshrl.u32 s12, $0x3;
	s13 =	sshrl.u32 s13, $0x3;
	s14 =	sshrl.u32 s14, $0x3  }
0x12: {  	s15 =	sshrl.u32 s15, $0x3;
	s18 =	sshrl.u32 s18, $0x3;
	s17 =	smax.u32 s17, $0x1  }
0x13: {  	s10 =	sadd.s32 s10, s20;
	s11 =	sadd.s32 s11, s20;
	s12 =	sadd.s32 s16, s12  }
0x14: {  	s13 =	sadd.s32 s16, s13;
	s14 =	sadd.s32 s16, s14;
	s15 =	sadd.s32 s16, s15  }
0x15: {  	v0 =	vimm.f32 $0.0e+00;
	s16 =	sadd.s32 s16, s18;
	s18 =	simm.s32 $0x5000;
	s20 =	simm.s32 $0x2800  }
.LBB2_1:
0x16: {  	s23 =	simm.s32 $0x0;
	s24 =	simm.s32 $0x200  }
.LBB2_2:
0x17: {  	p0 =	sne.s32 s24, $0xFE00;
	[tilespmem:s23+$0x5070] =	vst v0  }
0x18: {  	[tilespmem:s23+$0x5000] =	vst v0  }
0x19: {  	[tilespmem:s23+$0x5010] =	vst v0  }
.Ltmp0:
0x1a: {  	[tilespmem:s23+$0x5020] =	vst v0;
	(pc) =	sbr.rel @p0 .LBB2_2-.Ltmp0, $4  }
0x1b: {  	[tilespmem:s23+$0x5030] =	vst v0  }
0x1c: {  	[tilespmem:s23+$0x5040] =	vst v0  }
0x1d: {  	[tilespmem:s23+$0x5050] =	vst v0  }
0x1e: {  	[tilespmem:s23+$0x5060] =	vst v0;
	s23 =	sshra.s32 s24, $0x2;
	s24 =	sadd.s32 $0x200, s24  }
0x1f: {  	[tilespmem:s23+$0x5070] =	vst v0  }
0x20: {  	[tilespmem:s23+$0x5000] =	vst v0  }
0x21: {  	[tilespmem:s23+$0x5010] =	vst v0  }
0x22: {  	[tilespmem:s23+$0x5020] =	vst v0  }
0x23: {  	[tilespmem:s23+$0x5030] =	vst v0  }
0x24: {  	[tilespmem:s23+$0x5040] =	vst v0  }
0x25: {  	[tilespmem:s23+$0x5050] =	vst v0  }
0x26: {  	[tilespmem:s23+$0x5060] =	vst v0  }
0x27: {  	[spmem:s5] =	stream.linear.scatter [tilespmem:s18], [sflag:$0x2], $0x4000, $0x38;
	[tilespmem:$0x1D000] =	vst v63  }
0x28: {  	_ =	swait.ge [sflag:s19], $0x4000  }
0x29: {  	[sflag:s19] =	ssyncset.done $0x0  }
0x2a: {  	[sflag:s19] =	ssyncadd.s32 $0xFFFFC000  }
0x2b: {  	[spmem:s6] =	stream.linear.scatter [tilespmem:s18], [sflag:$0x2], $0x4000, $0x38;
	[tilespmem:$0x1D000] =	vst v63  }
0x2c: {  	_ =	swait.ge [sflag:s19], $0x4000  }
0x2d: {  	[sflag:s19] =	ssyncset.done $0x0  }
0x2e: {  	[sflag:s19] =	ssyncadd.s32 $0xFFFFC000  }
0x2f: {  	[spmem:s7] =	stream.linear.scatter [tilespmem:s18], [sflag:$0x2], $0x4000, $0x38;
	[tilespmem:$0x1D000] =	vst v63  }
0x30: {  	_ =	swait.ge [sflag:s19], $0x4000  }
0x31: {  	[sflag:s19] =	ssyncset.done $0x0  }
0x32: {  	[sflag:s19] =	ssyncadd.s32 $0xFFFFC000  }
0x33: {  	[spmem:s8] =	stream.linear.scatter [tilespmem:s18], [sflag:$0x2], $0x4000, $0x38;
	[tilespmem:$0x1D000] =	vst v63  }
0x34: {  	_ =	swait.ge [sflag:s19], $0x4000  }
0x35: {  	[sflag:s19] =	ssyncset.done $0x0  }
0x36: {  	[sflag:s19] =	ssyncadd.s32 $0xFFFFC000  }
0x37: {  	[spmem:s9] =	stream.linear.scatter [tilespmem:s18], [sflag:$0x2], $0x4000, $0x38;
	[tilespmem:$0x1D000] =	vst v63  }
0x38: {  	_ =	swait.ge [sflag:s19], $0x4000  }
0x39: {  	[sflag:s19] =	ssyncset.done $0x0  }
0x3a: {  	s29 =	simm.s32 $0x0;
	[sflag:s19] =	ssyncadd.s32 $0xFFFFC000  }
0x3b: {  	[tilespmem:s29], [sflag:$0x2] =	stream.linear.gather [hbm4b:s10+s29], $0x2780, $0x38;
	[tilespmem:$0x1D000] =	vst v63  }
0x3c: {  	_ =	swait.ge [sflag:s19], $0x2780  }
0x3d: {  	[sflag:s19] =	ssyncset.done $0x0  }
0x3e: {  	[sflag:s19] =	ssyncadd.s32 $0xFFFFD880  }
0x3f: {  	[tilespmem:s20], [sflag:$0x2] =	stream.linear.gather [hbm4b:s11+s29], $0x2780, $0x38;
	[tilespmem:$0x1D000] =	vst v63  }
0x40: {  	_ =	swait.ge [sflag:s19], $0x2780  }
0x41: {  	[sflag:s19] =	ssyncset.done $0x0  }
0x42: {  	[sflag:s19] =	ssyncadd.s32 $0xFFFFD880  }
0x43: {  	s30 =	simm.s32 $0x0;
	[bflag:$0x0] =	sbarrier.arrive $0xFFFF  }
0x44: {  	[tilespmem:s18], [sflag:$0x1] =	stream.indirect.gather [hbm4b:s4+s21], $0x80, s30, s21, $0xb8;
	[tilespmem:$0x1D000] =	vst v63  }
0x45: {  	_ =	swait.ge [sflag:s22], $0x4000  }
0x46: {  	[sflag:s22] =	ssyncset.done $0x0  }
0x47: {  	s31 =	simm.s32 $0x2800;
	[sflag:s22] =	ssyncadd.s32 $0xFFFFC000  }
0x48: {  	[spmem:s1] =	stream.indirect.scatter.add.f32 [tilespmem:s18], [sflag:$0x2], $0x80, s31, s21, $0xb8;
	[tilespmem:$0x1D000] =	vst v63  }
0x49: {  	_ =	swait.ge [sflag:s19], $0x4000  }
0x4a: {  	s23 =	simm.s32 $0x200;
	s24 =	simm.s32 $0x400;
	[sflag:s19] =	ssyncset.done $0x0  }
.LBB2_4:
0x4b: {  	s25 =	sshra.s32 s23, $0x2  }
0x4c: {  	[sflag:s19] =	ssyncadd.s32 $0xFFFFC000;
	s23 =	smov.u32 s24;
	s26 =	sadd.s32 $0x200, s24  }
0x4d: {  	[tilespmem:s18], [sflag:$0x1] =	stream.indirect.gather [hbm4b:s4+s21], $0x80, s25, s21, $0xb8;
	[tilespmem:$0x1D000] =	vst v63  }
0x4e: {  	p0 =	sne.s32 s24, $0x9C00;
	_ =	swait.ge [sflag:s22], $0x4000  }
.Ltmp1:
0x4f: {  	[sflag:s22] =	ssyncset.done $0x0;
	(pc) =	sbr.rel @p0 .LBB2_4-.Ltmp1, $4  }
0x50: {  	s24 =	sadd.s32 $0x2800, s25;
	[sflag:s22] =	ssyncadd.s32 $0xFFFFC000  }
0x51: {  	[spmem:s1] =	stream.indirect.scatter.add.f32 [tilespmem:s18], [sflag:$0x2], $0x80, s24, s21, $0xb8;
	[tilespmem:$0x1D000] =	vst v63  }
0x52: {  	_ =	swait.ge [sflag:s19], $0x4000  }
0x53: {  	s24 =	smov.u32 s26;
	[sflag:s19] =	ssyncset.done $0x0  }
0x54: {  	s23 =	sshra.s32 s23, $0x2;
	[sflag:s19] =	ssyncadd.s32 $0xFFFFC000  }
0x55: {  	[tilespmem:s18], [sflag:$0x1] =	stream.indirect.gather [hbm4b:s4+s21], $0x80, s23, s21, $0xb8;
	[tilespmem:$0x1D000] =	vst v63  }
0x56: {  	_ =	swait.ge [sflag:s22], $0x4000  }
0x57: {  	[sflag:s22] =	ssyncset.done $0x0  }
0x58: {  	s23 =	sadd.s32 $0x2800, s23;
	[sflag:s22] =	ssyncadd.s32 $0xFFFFC000  }
0x59: {  	[spmem:s1] =	stream.indirect.scatter.add.f32 [tilespmem:s18], [sflag:$0x2], $0x80, s23, s21, $0xb8;
	[tilespmem:$0x1D000] =	vst v63  }
0x5a: {  	_ =	swait.ge [sflag:s19], $0x4000  }
0x5b: {  	[sflag:s19] =	ssyncset.done $0x0  }
0x5c: {  	s26 =	sshll.u32 s2, $0x6;
	[sflag:s19] =	ssyncadd.s32 $0xFFFFC000  }
0x5d: {  	s24 =	sshrl.u32 s5, $0x3;
	s23 =	sor.u32 $0x1C02, s26;
	[bflag:$0x0] =	sbarrier.arrive $0xFFFF  }
0x5e: {  	[hbm:s12], [sflag:s23] =	dma.local [spmem:s24], $0x800  }
0x5f: {  	_ =	swait.ge [sflag:s19], $0x800  }
0x60: {  	[sflag:s19] =	ssyncset.done $0x0  }
0x61: {  	s28 =	sshrl.u32 s6, $0x3;
	[sflag:s19] =	ssyncadd.s32 $0xFFFFF800  }
0x62: {  	[hbm:s13], [sflag:s23] =	dma.local [spmem:s28], $0x800  }
0x63: {  	_ =	swait.ge [sflag:s19], $0x800  }
0x64: {  	[sflag:s19] =	ssyncset.done $0x0  }
0x65: {  	s29 =	sshrl.u32 s7, $0x3;
	[sflag:s19] =	ssyncadd.s32 $0xFFFFF800  }
0x66: {  	[hbm:s14], [sflag:s23] =	dma.local [spmem:s29], $0x800  }
0x67: {  	_ =	swait.ge [sflag:s19], $0x800  }
0x68: {  	[sflag:s19] =	ssyncset.done $0x0  }
0x69: {  	s30 =	sshrl.u32 s8, $0x3;
	[sflag:s19] =	ssyncadd.s32 $0xFFFFF800  }
0x6a: {  	[hbm:s15], [sflag:s23] =	dma.local [spmem:s30], $0x800  }
0x6b: {  	s3 =	sadd.s32 $0x1, s3;
	_ =	swait.ge [sflag:s19], $0x800  }
0x6c: {  	p0 =	sne.s32 s3, s17;
	[sflag:s19] =	ssyncset.done $0x0  }
.Ltmp2:
0x6d: {  	s31 =	sshrl.u32 s9, $0x3;
	[sflag:s19] =	ssyncadd.s32 $0xFFFFF800;
	(pc) =	sbr.rel @p0 .LBB2_1-.Ltmp2, $4  }
0x6e: {  	[hbm:s16], [sflag:s23] =	dma.local [spmem:s31], $0x800  }
0x6f: {  	_ =	swait.ge [sflag:s19], $0x800  }
0x70: {  	[sflag:s19] =	ssyncset.done $0x0  }
0x71: {  	[sflag:s19] =	ssyncadd.s32 $0xFFFFF800  }
0x72: {  	_ =	sfence.sel $0x180000  }
0x73: {  	[bflag:$0x0] =	sbarrier.arrive $0xFFFF  }
0x74: {  	p0 =	sne.s32 s2, $0x0;
	_ =	strace $0x9000004D  }
0x75: {  	s0 =	sadd.s32 @!p0 $0x100000, s0;
	[bflag:$0x2] =	sbarrier.arrive $0xFFFF  }
0x76: {  	[sflag:s0] =	ssyncadd.tile.s32 @!p0 $0x1;
	_ =	shalt  }
.Lfunc_end2:
_tile_overlayer_lowered:
.L_overlay_start_2:
0x77: {  	(tag) =	ssettag $0x2  }
0x78: {  	s0 =	rddreg [dreg:$0x0];
	s2 =	stileid.u32  }
0x79: {  	s1 =	rddreg [dreg:$0x1];
	p0 =	sne.s32 s2, $0x0  }
0x7a: {  	s3 =	rddreg [dreg:$0x2];
	[bflag:$0x3] =	sbarrier.arrive $0xFFFF;
	s2 =	simm.s32 @!p0 $0x1C02  }
0x7b: {  	[timem:s3], [sflag:s2] =	dma.local @!p0 [hbm:s0], s1  }
0x7c: {  	s0 =	simm.s32 @!p0 $0x2  }
0x7d: {  	_ =	swait.ge @!p0 [sflag:s0], s1  }
0x7e: {  	s1 =	ssub.s32 @!p0 $0x0, s1;
	[sflag:s0] =	ssyncset.done @!p0 $0x0  }
0x7f: {  	[sflag:s0] =	ssyncadd.s32 @!p0 s1  }
0x80: {  	[bflag:$0x3] =	sbarrier.arrive $0xFFFF  }
0x81: {  	_ =	shalt  }

// kernel: kernel.8.cloned.1.call-start
scs
__scs_entry_jumppad:
0x0: {  	(pc) =	sbr.rel $0x88, $3  }
0x1: {  	(tag) =	ssettag $0x0;
	lr =	simm.s32 $0x1  }
0x2: {  	[smem:$0x3F99] =	sst lr;
	_ =	strace $0xD0000000  }
0x3: {  	_ = 	snop  }
0x4: {  	_ = 	snop  }
0x5: {  	_ = 	snop  }
0x6: {  	_ = 	snop  }
0x7: {  	_ = 	snop  }
__scs_overlays_trampoline_lowered:
0x8: {  	[smem:$0x3FA8] =	sst s0  }
0x9: {  	[smem:$0x3FA9] =	sst s1  }
0xa: {  	[smem:$0x3FAA] =	sst s2  }
0xb: {  	[smem:$0x3FAB] =	sst s3  }
0xc: {  	[smem:$0x3FAC] =	sst s4  }
0xd: {  	[smem:$0x3FAD] =	sst s5  }
0xe: {  	[smem:$0x3FAE] =	sst s6  }
0xf: {  	[smem:$0x3FAF] =	sst s7  }
0x10: {  	[smem:$0x3FB0] =	sst s8  }
0x11: {  	[smem:$0x3FB1] =	sst s9;
	s0 =	simm.s32 @!p0 $0x0  }
0x12: {  	s1 =	sld [smem:$0x3F97];
	s0 =	simm.s32 @p0 $0x1  }
0x13: {  	[smem:$0x3FB2] =	sst s0;
	s0 =	simm.s32 @!p1 $0x0  }
0x14: {  	s2 =	sld [smem:$0x3F96];
	s0 =	simm.s32 @p1 $0x1  }
0x15: {  	[smem:$0x3FB3] =	sst s0;
	s0 =	simm.s32 @!p2 $0x0  }
0x16: {  	s3 =	sld [smem:$0x3FDB];
	s0 =	simm.s32 @p2 $0x1  }
0x17: {  	s4 =	simm.s32 $0x1BF5;
	[smem:$0x3FB5] =	sst s0  }
0x18: {  	s0 =	sld [smem:$0x3F98];
	_ =	swait.ge [sflag:s4], $0x0  }
0x19: {  	s7 =	sld [smem:$0x3F99]  }
0x1a: {  	s8 =	sadd.s32 $0xFFFFE003, lr  }
0x1b: {  	s9 =	sadd.s32 $0xFFFFFEF7, lr;
	s5 =	simm.s32 $0xFFFFFFFF;
	p2 =	slt.u32 s8, $0xFFFFF086  }
0x1c: {  	p1 =	slt.u32 s9, $0xF7A;
	s5 =	simm.s32 @!p2 $0x0  }
0x1d: {  	s5 =	simm.s32 @p1 $0x1;
	p0 =	seq.s32 s7, s2  }
0x1e: {  	s7 =	smul.u32 @!p0 $0xF7A, s2;
	p2 =	seq.s32 @!p0 s5, $0x0  }
0x1f: {  	s9 =	smul.u32 $0xF7A, s1;
	s8 =	simm.s32 @!p0 $0x1BF5;
	p2 =	por !p2, p0  }
0x20: {  	[sflag:s8] =	ssyncset.s32 @!p0 $0xFFFFF086;
	s6 =	sadd.s32 @!p0 s3, s7;
	s7 =	simm.s32 @!p0 $0x108  }
0x21: {  	s3 =	sadd.s32 s3, s9;
	s6 =	sadd.s32 @!p0 $0x88, s6;
	s7 =	simm.s32 @p2 $0x1082  }
0x22: {  	[simem:s7], [sflag:s8] =	dma.local @!p0 [hbm:s6], $0xF7A  }
0x23: {  	s9 =	sor.u32 $0xD0000000, s2;
	s6 =	simm.s32 $0x108;
	_ =	swait.ge @!p0 [sflag:s8], $0x0  }
0x24: {  	s3 =	sadd.s32 $0x88, s3;
	s6 =	simm.s32 @!p1 $0x1082;
	[sflag:s4] =	ssyncset.s32 $0xFFFFF086  }
0x25: {  	[simem:s6], [sflag:s4] =	dma.local [hbm:s3], $0xF7A  }
0x26: {  	[smem:$0x3F99] =	sst s1;
	(tag) =	ssettag s2;
	_ =	strace s9  }
0x27: {  	s1 =	sld [smem:$0x3FA9]  }
0x28: {  	s2 =	sld [smem:$0x3FAA]  }
0x29: {  	s4 =	sld [smem:$0x3FAC]  }
0x2a: {  	p0 =	seq.s32 s5, $0x0;
	s5 =	sld [smem:$0x3FAD]  }
0x2b: {  	s6 =	sld [smem:$0x3FAE]  }
0x2c: {  	s7 =	sld [smem:$0x3FAF]  }
0x2d: {  	s3 =	simm.s32 $0x108;
	s8 =	sld [smem:$0x3FB0]  }
0x2e: {  	s3 =	simm.s32 @!p0 $0x1082;
	s9 =	sld [smem:$0x3FB1]  }
0x2f: {  	lr =	sadd.s32 s0, s3;
	s0 =	sld [smem:$0x3FA8]  }
0x30: {  	s3 =	sld [smem:$0x3FAB]  }
0x31: {  	[smem:$0x3FB4] =	sst s10  }
0x32: {  	s10 =	sld [smem:$0x3FB2];
	_ =	sdelay $0x3  }
0x33: {  	p0 =	seq.s32 s10, $0x1;
	s10 =	sld [smem:$0x3FB4];
	_ =	sdelay $0x3  }
0x34: {  	[smem:$0x3FB4] =	sst s10  }
0x35: {  	s10 =	sld [smem:$0x3FB3];
	_ =	sdelay $0x3  }
0x36: {  	p1 =	seq.s32 s10, $0x1;
	s10 =	sld [smem:$0x3FB4];
	_ =	sdelay $0x3  }
0x37: {  	[smem:$0x3FB4] =	sst s10  }
0x38: {  	s10 =	sld [smem:$0x3FB5]  }
0x39: {  	_ = 	snop;
	(pc) =	sbr.ind lr, $3  }
0x3a: {  	_ = 	snop  }
0x3b: {  	_ = 	snop  }
0x3c: {  	p2 =	seq.s32 s10, $0x1;
	s10 =	sld [smem:$0x3FB4]  }
0x3d: {  	_ =	shalt  }
0x3e: {  	_ =	shalt  }
0x3f: {  	_ =	shalt  }
0x40: {  	_ =	shalt  }
0x41: {  	_ =	shalt  }
0x42: {  	_ =	shalt  }
0x43: {  	_ =	shalt  }
0x44: {  	_ =	shalt  }
0x45: {  	_ =	shalt  }
0x46: {  	_ =	shalt  }
0x47: {  	_ =	shalt  }
0x48: {  	_ =	shalt  }
0x49: {  	_ =	shalt  }
0x4a: {  	_ =	shalt  }
0x4b: {  	_ =	shalt  }
0x4c: {  	_ =	shalt  }
0x4d: {  	_ =	shalt  }
0x4e: {  	_ =	shalt  }
0x4f: {  	_ =	shalt  }
0x50: {  	_ =	shalt  }
0x51: {  	_ =	shalt  }
0x52: {  	_ =	shalt  }
0x53: {  	_ =	shalt  }
0x54: {  	_ =	shalt  }
0x55: {  	_ =	shalt  }
0x56: {  	_ =	shalt  }
0x57: {  	_ =	shalt  }
0x58: {  	_ =	shalt  }
0x59: {  	_ =	shalt  }
0x5a: {  	_ =	shalt  }
0x5b: {  	_ =	shalt  }
0x5c: {  	_ =	shalt  }
0x5d: {  	_ =	shalt  }
0x5e: {  	_ =	shalt  }
0x5f: {  	_ =	shalt  }
0x60: {  	_ =	shalt  }
0x61: {  	_ =	shalt  }
0x62: {  	_ =	shalt  }
0x63: {  	_ =	shalt  }
0x64: {  	_ =	shalt  }
0x65: {  	_ =	shalt  }
0x66: {  	_ =	shalt  }
0x67: {  	_ =	shalt  }
0x68: {  	_ =	shalt  }
0x69: {  	_ =	shalt  }
0x6a: {  	_ =	shalt  }
0x6b: {  	_ =	shalt  }
0x6c: {  	_ =	shalt  }
0x6d: {  	_ =	shalt  }
0x6e: {  	_ =	shalt  }
0x6f: {  	_ =	shalt  }
0x70: {  	_ =	shalt  }
0x71: {  	_ =	shalt  }
0x72: {  	_ =	shalt  }
0x73: {  	_ =	shalt  }
0x74: {  	_ =	shalt  }
0x75: {  	_ =	shalt  }
0x76: {  	_ =	shalt  }
0x77: {  	_ =	shalt  }
0x78: {  	_ =	shalt  }
0x79: {  	_ =	shalt  }
0x7a: {  	_ =	shalt  }
0x7b: {  	_ =	shalt  }
0x7c: {  	_ =	shalt  }
0x7d: {  	_ =	shalt  }
0x7e: {  	_ =	shalt  }
0x7f: {  	_ =	shalt  }
0x80: {  	_ =	shalt  }
0x81: {  	_ =	shalt  }
0x82: {  	_ =	shalt  }
0x83: {  	_ =	shalt  }
0x84: {  	_ =	shalt  }
0x85: {  	_ =	shalt  }
0x86: {  	_ =	shalt  }
0x87: {  	_ =	shalt  }
.Lfunc_end0:
.L_simem_size_0:
called_computation_lowered:
.L_overlay_start_0:
0x88: {  	s2 =	sld [smem:$0x3FD9]  }
0x89: {  	s3 =	sld [smem:$0x3FFE];
	_ =	sdelay $0x1  }
0x8a: {  	s1 =	srdreg.scid  }
0x8b: {  	s0 =	sand.u32 $0x1, s1  }
0x8c: {  	s14 =	sshll.u32 s0, $0xA;
	s2 =	sadd.s32 s3, s2  }
0x8d: {  	s2 =	sadd.s32 s2, s14  }
0x8e: {  	[smem:$0x3FC0] =	sst s2  }
0x8f: {  	_ = 	snop  }
0x90: {  	s2 =	sld [smem:$0x3FD0];
	_ =	sdelay $0x2  }
0x91: {  	s15 =	simm.s32 $0xA;
	s4 =	simm.s32 $0x10  }
0x92: {  	[smem:s4], [sflag:s15] =	dma.local [hbm:s2], $0x1  }
0x93: {  	_ =	swait.eq [sflag:s15], $0x1  }
0x94: {  	[sflag:s15] =	ssyncset.done $0x0  }
0x95: {  	[sflag:s15] =	ssyncadd.s32 $0xFFFFFFFF  }
0x96: {  	s16 =	sld [smem:$0x11];
	(tm) =	ssettm $0x1  }
0x97: {  	s17 =	sld [smem:$0x3FFB];
	_ =	sdelay $0x3  }
0x98: {  	_ =	strace s17  }
0x99: {  	s3 =	sld [smem:$0x3FFC];
	_ =	sdelay $0x3  }
0x9a: {  	_ =	strace s3  }
0x9b: {  	s3 =	sld [smem:$0x3FFD];
	_ =	sdelay $0x3  }
0x9c: {  	_ =	strace s3  }
0x9d: {  	_ =	strace $0x8FFFFFFF  }
0x9e: {  	s18 =	sld [smem:$0x3FDB];
	_ =	sdelay $0x1  }
0x9f: {  	s19 =	simm.s32 $_scs_section_size  }
0xa0: {  	s5 =	simm.s32 $_size__tile_overlayer_lowered;
	s6 =	simm.s32 $_tile_overlayer_lowered  }
0xa1: {  	s22 =	simm.s32 $0x1BFF;
	s21 =	sshll.u32 s6, $0x1;
	s3 =	sadd.s32 s19, s18  }
0xa2: {  	s7 =	simm.s32 $0x0;
	s20 =	sshll.u32 s5, $0x1;
	s5 =	sadd.s32 s21, s3  }
0xa3: {  	[timem:s7], [sflag:s22] =	dma.local [hbm:s5], s20  }
0xa4: {  	_ =	swait.ge [sflag:s22], s20  }
0xa5: {  	s4 =	ssub.s32 $0x0, s20;
	[sflag:s22] =	ssyncset.done $0x0  }
0xa6: {  	[sflag:s22] =	ssyncadd.s32 s4;
	_ =	sdelay $0x1  }
0xa7: {  	s23 =	simm.s32 $0x1B8B  }
0xa8: {  	_ =	swait.ge [sflag:s23], $0x1  }
0xa9: {  	[sflag:s23] =	ssyncset.done $0x0  }
0xaa: {  	s25 =	simm.s32 $0x1B8E;
	s24 =	sld [smem:$0x3FFE];
	[sflag:s23] =	ssyncadd.s32 $0xFFFFFFFF  }
0xab: {  	s26 =	simm.s32 $execute0_lowered;
	[smem:$0x3FD2] =	sst s25  }
0xac: {  	s5 =	sshll.u32 s26, $0x1;
	_ =	strace $0x80000046;
	[dreg:$0x1] =	wrdreg $0xFFFFFFFF  }
0xad: {  	s28 =	simm.s32 $_size_execute0_lowered;
	s3 =	sadd.s32 s3, s5;
	[dreg:$0x0] =	wrdreg $0x0  }
0xae: {  	s5 =	sshll.u32 s28, $0x1;
	[dreg:$0x2] =	wrdreg s3  }
0xaf: {  	[dreg:$0x3] =	wrdreg s5  }
0xb0: {  	[dreg:$0x4] =	wrdreg $0xC0  }
0xb1: {  	_ =	task [dreg:s7], $0x5FFFF  }
0xb2: {  	[dreg:$0x1] =	wrdreg $0xFFFFFFFF  }
0xb3: {  	[dreg:$0x0] =	wrdreg $0x60  }
0xb4: {  	[dreg:$0x2] =	wrdreg s16  }
0xb5: {  	[dreg:$0x3] =	wrdreg s24  }
0xb6: {  	[dreg:$0x4] =	wrdreg $0x2B000  }
0xb7: {  	[dreg:$0x5] =	wrdreg $0x9  }
0xb8: {  	_ =	task.clear_ibuf [dreg:s7], $0x6FFFF;
	_ =	strace $0x90000046  }
0xb9: {  	s29 =	simm.s32 $0x9;
	_ =	strace $0x80000048  }
0xba: {  	_ =	swait.ge [sflag:s29], $0x1  }
0xbb: {  	[sflag:s29] =	ssyncadd.s32 $0xFFFFFFFF  }
0xbc: {  	_ =	strace $0x90000048  }
0xbd: {  	_ =	sfence  }
0xbe: {  	s30 =	sld [smem:$0x0];
	_ =	sdelay $0x2  }
0xbf: {  	s31 =	sshll.u32 s1, $0xD;
	s1 =	sshrl.u32 s1, $0x2  }
0xc0: {  	s3 =	sand.u32 $0x4000, s31;
	s1 =	sadd.s32 s1, s30  }
0xc1: {  	s0 =	sor.u32 s3, s0;
	s1 =	sshll.u32 s1, $0x11  }
0xc2: {  	s0 =	sor.u32 s1, s0  }
0xc3: {  	s0 =	sadd.s32 $0x8F2B, s0  }
0xc4: {  	[sflag:s0] =	ssyncadd.remote.s32 $0x1  }
0xc5: {  	_ =	sfence.sel $0xFFFF  }
0xc6: {  	[dreg:$0x0] =	wrdreg $0xFFFFFFFF;
	(pc) =	sbr.abs _section_cstart, $3  }
0xc7: {  	[dreg:$0x1] =	wrdreg $0xFFFFFFFF  }
0xc8: {  	_ =	task.clear_ibuf [dreg:s7], $0x2FFFF;
	_ =	strace $0x9FFFFFFF  }
0xc9: {  	(tm) =	ssettm $0x7FFFFFFF  }
tec
execute0_lowered:
.L_overlay_start_1:
0x0: {  	(tag) =	ssettag $0x1  }
0x1: {  	s5 =	rddreg [dreg:$0x0]  }
0x2: {  	s4 =	rddreg [dreg:$0x1]  }
0x3: {  	s2 =	rddreg [dreg:$0x2]  }
0x4: {  	s0 =	rddreg [dreg:$0x3];
	s6 =	srdreg.scid  }
0x5: {  	s1 =	stileid.u32;
	s3 =	simm.s32 $0x0;
	s11 =	simm.s32 $0x2800  }
0x6: {  	s12 =	simm.s32 $0x1;
	s15 =	simm.s32 $0x20;
	s16 =	simm.s32 $0x10  }
0x7: {  	s17 =	simm.s32 $0x0;
	s6 =	sand.u32 $0x1, s6;
	s7 =	smul.u32 $0x500, s1  }
0x8: {  	[smem:$0x7FF] =	sst s3;
	s9 =	smul.u32 $0xA00, s1;
	s13 =	sshll.u32 s1, $0x6  }
0x9: {  	s8 =	sshll.u32 s6, $0x7;
	_ =	strace $0x80000047;
	s30 =	sshll.u32 s6, $0x4  }
0xa: {  	s6 =	ssub.s32 $0x2, s6;
	s13 =	sor.u32 $0x1C02, s13;
	s7 =	sor.u32 s8, s7  }
0xb: {  	s8 =	sor.u32 s1, s30;
	s10 =	sshrl.u32 s6, $0x1;
	s31 =	sshrl.u32 s9, $0x2  }
0xc: {  	s9 =	simm.s32 $0x2;
	s7 =	sshrl.u32 s7, $0x3;
	s8 =	smul.u32 $0x500, s8  }
0xd: {  	s10 =	ssub.s32 s6, s10;
	s7 =	sadd.s32 s7, s4;
	s4 =	sadd.s32 s31, s2  }
0xe: {  	s5 =	sadd.s32 s5, s8;
	s6 =	sadd.s32 $0x2200, s7;
	s7 =	smax.u32 s10, $0x1  }
0xf: {  	v0 =	vimm.f32 $0.0e+00;
	v1 =	vimm.f32 $1.000000000e+00;
	s8 =	simm.s32 $0x2880;
	s10 =	simm.s32 $0x80;
	s14 =	sshrl.u32 s4, $0x3  }
.LBB2_1:
0x10: {  	[tilespmem:$0x2880] =	vst v0  }
0x11: {  	[tilespmem:$0x2890] =	vst v0  }
0x12: {  	[tilespmem:$0x28A0] =	vst v0  }
0x13: {  	[tilespmem:$0x28B0] =	vst v0  }
0x14: {  	[tilespmem:$0x28C0] =	vst v0  }
0x15: {  	[tilespmem:$0x28D0] =	vst v0  }
0x16: {  	[tilespmem:$0x28E0] =	vst v0  }
0x17: {  	[tilespmem:$0x28F0] =	vst v0  }
0x18: {  	[tilespmem:$0x2900] =	vst v0  }
0x19: {  	[tilespmem:$0x2910] =	vst v0  }
0x1a: {  	[tilespmem:$0x2920] =	vst v0  }
0x1b: {  	[tilespmem:$0x2930] =	vst v0  }
0x1c: {  	[tilespmem:$0x2940] =	vst v0  }
0x1d: {  	[tilespmem:$0x2950] =	vst v0  }
0x1e: {  	[tilespmem:$0x2960] =	vst v0  }
0x1f: {  	[tilespmem:$0x2970] =	vst v0  }
0x20: {  	[tilespmem:$0x2980] =	vst v0  }
0x21: {  	[tilespmem:$0x2990] =	vst v0  }
0x22: {  	[tilespmem:$0x29A0] =	vst v0  }
0x23: {  	[tilespmem:$0x29B0] =	vst v0  }
0x24: {  	[tilespmem:$0x29C0] =	vst v0  }
0x25: {  	[tilespmem:$0x29D0] =	vst v0  }
0x26: {  	[tilespmem:$0x29E0] =	vst v0  }
0x27: {  	[tilespmem:$0x29F0] =	vst v0  }
0x28: {  	[tilespmem:$0x2A00] =	vst v0  }
0x29: {  	[tilespmem:$0x2A10] =	vst v0  }
0x2a: {  	[tilespmem:$0x2A20] =	vst v0  }
0x2b: {  	[tilespmem:$0x2A30] =	vst v0  }
0x2c: {  	[tilespmem:$0x2A40] =	vst v0  }
0x2d: {  	[tilespmem:$0x2A50] =	vst v0  }
0x2e: {  	[tilespmem:$0x2A60] =	vst v0  }
0x2f: {  	[tilespmem:$0x2A70] =	vst v0  }
0x30: {  	[tilespmem:$0x2A80] =	vst v0  }
0x31: {  	[tilespmem:$0x2A90] =	vst v0  }
0x32: {  	[tilespmem:$0x2AA0] =	vst v0  }
0x33: {  	[tilespmem:$0x2AB0] =	vst v0  }
0x34: {  	[tilespmem:$0x2AC0] =	vst v0  }
0x35: {  	[tilespmem:$0x2AD0] =	vst v0  }
0x36: {  	[tilespmem:$0x2AE0] =	vst v0  }
0x37: {  	[tilespmem:$0x2AF0] =	vst v0  }
0x38: {  	[tilespmem:$0x2800] =	vst v1  }
0x39: {  	[tilespmem:$0x2810] =	vst v1  }
0x3a: {  	[tilespmem:$0x2820] =	vst v1  }
0x3b: {  	[tilespmem:$0x2830] =	vst v1  }
0x3c: {  	[tilespmem:$0x2840] =	vst v1  }
0x3d: {  	[tilespmem:$0x2850] =	vst v1  }
0x3e: {  	[tilespmem:$0x2860] =	vst v1  }
0x3f: {  	[tilespmem:$0x2870] =	vst v1  }
0x40: {  	[spmem:s4] =	stream.linear.scatter [tilespmem:s8], [sflag:$0x2], $0x280, $0x38;
	[tilespmem:$0x2D80] =	vst v63  }
0x41: {  	_ =	swait.ge [sflag:s9], $0x280  }
0x42: {  	[sflag:s9] =	ssyncset.done $0x0  }
0x43: {  	[sflag:s9] =	ssyncadd.s32 $0xFFFFFD80  }
0x44: {  	[tilespmem:s3], [sflag:$0x2] =	stream.linear.gather [hbm4b:s5+s3], $0x2780, $0x38;
	[tilespmem:$0x2D80] =	vst v63  }
0x45: {  	_ =	swait.ge [sflag:s9], $0x2780  }
0x46: {  	[sflag:s9] =	ssyncset.done $0x0  }
0x47: {  	[sflag:s9] =	ssyncadd.s32 $0xFFFFD880  }
0x48: {  	s18 =	simm.s32 $0x0;
	[bflag:$0x0] =	sbarrier.arrive $0xFFFF  }
.LBB2_2:
0x49: {  	p0 =	sne.s32 s18, $0x9C00  }
.Ltmp0:
0x4a: {  	_ = 	snop;
	(pc) =	sbr.rel @p0 .LBB2_2-.Ltmp0, $3  }
0x4b: {  	_ =	sdelay $0x1  }
0x4c: {  	s19 =	sshra.s32 s18, $0x2;
	s18 =	sadd.s32 $0x200, s18  }
0x4d: {  	[spmem:s2] =	stream.indirect.scatter.add.f32 [tilespmem:s11], [sflag:$0x1], $0x1, s19, s10, $0xb8;
	[tilespmem:$0x2D80] =	vst v63  }
0x4e: {  	_ =	swait.ge [sflag:s12], $0x80  }
0x4f: {  	s18 =	simm.s32 $0x4E;
	[sflag:s12] =	ssyncset.done $0x0  }
.LBB2_4:
0x50: {  	p0 =	sne.s32 s18, $0x1;
	s18 =	sadd.s32 $0xFFFFFFFF, s18;
	[sflag:s12] =	ssyncadd.s32 $0xFFFFFF80  }
.Ltmp1:
0x51: {  	(pc) =	sbr.rel @p0 .LBB2_4-.Ltmp1, $3  }
0x52: {  	_ =	sdelay $0x1  }
0x53: {  	_ =	swait.ge [sflag:s12], $0x80  }
0x54: {  	[sflag:s12] =	ssyncset.done $0x0  }
0x55: {  	s17 =	sadd.s32 $0x1, s17  }
0x56: {  	[sflag:s12] =	ssyncadd.s32 $0xFFFFFF80;
	p0 =	sne.s32 s17, s7  }
.Ltmp2:
0x57: {  	[bflag:$0x0] =	sbarrier.arrive $0xFFFF;
	(pc) =	sbr.rel @p0 .LBB2_1-.Ltmp2, $4  }
0x58: {  	[hbm:s6@s15], [sflag:s13] =	dma.strided [spmem:s14@s16], $0x50, s12, $0x10   }
0x59: {  	_ =	swait.ge [sflag:s9], $0x50  }
0x5a: {  	[sflag:s9] =	ssyncset.done $0x0  }
0x5b: {  	[sflag:s9] =	ssyncadd.s32 $0xFFFFFFB0  }
0x5c: {  	_ =	sfence.sel $0x180000  }
0x5d: {  	[bflag:$0x0] =	sbarrier.arrive $0xFFFF  }
0x5e: {  	p0 =	sne.s32 s1, $0x0;
	_ =	strace $0x90000047  }
0x5f: {  	s0 =	sadd.s32 @!p0 $0x100000, s0;
	[bflag:$0x2] =	sbarrier.arrive $0xFFFF  }
0x60: {  	[sflag:s0] =	ssyncadd.tile.s32 @!p0 $0x1;
	_ =	shalt  }
.Lfunc_end2:
_tile_overlayer_lowered:
.L_overlay_start_2:
0x61: {  	(tag) =	ssettag $0x2  }
0x62: {  	s0 =	rddreg [dreg:$0x0];
	s2 =	stileid.u32  }
0x63: {  	s1 =	rddreg [dreg:$0x1];
	p0 =	sne.s32 s2, $0x0  }
0x64: {  	s3 =	rddreg [dreg:$0x2];
	[bflag:$0x3] =	sbarrier.arrive $0xFFFF;
	s2 =	simm.s32 @!p0 $0x1C02  }
0x65: {  	[timem:s3], [sflag:s2] =	dma.local @!p0 [hbm:s0], s1  }
0x66: {  	s0 =	simm.s32 @!p0 $0x2  }
0x67: {  	_ =	swait.ge @!p0 [sflag:s0], s1  }
0x68: {  	s1 =	ssub.s32 @!p0 $0x0, s1;
	[sflag:s0] =	ssyncset.done @!p0 $0x0  }
0x69: {  	[sflag:s0] =	ssyncadd.s32 @!p0 s1  }
0x6a: {  	[bflag:$0x3] =	sbarrier.arrive $0xFFFF  }
0x6b: {  	_ =	shalt  }

</sc_bundles>
